<compile_context>
chip_gen: v7x
topology: tpu7x:2x2x1
jax: 0.10.2.dev20260603
libtpu: 0.0.44.dev20260713+nightly
codegen_flags: <defaults>
</compile_context>

<pallas_src>
import functools

import jax
import jax.numpy as jnp
from jax import lax
from jax.experimental import pallas as pl
from jax.experimental.pallas import tpu as pltpu
from jax.experimental.pallas import tpu_sc as plsc

N = 10000
D = 128
E = 320000
ALPHA = 0.1

NC = 2
NS = 16
NW = NC * NS
CHUNK = 128

E_PAD = ((E + NW * CHUNK - 1) // (NW * CHUNK)) * (NW * CHUNK)
EW = E_PAD // NW
NCHUNK = EW // CHUNK
NP = 10240
ZCH = NP // NS // CHUNK


@functools.lru_cache(maxsize=None)
def _mesh():
    return plsc.VectorSubcoreMesh(core_axis_name="c", subcore_axis_name="s",
                                  num_cores=NC, num_subcores=NS)


def _deg_body(dst_hbm, zerosd_hbm, onesd_hbm, out_hbm, idx_v, ones_v, part_s):
    c = lax.axis_index("c")
    s = lax.axis_index("s")
    wid = s * NC + c
    for k in range(ZCH):
        pltpu.sync_copy(zerosd_hbm, part_s.at[pl.ds((s * ZCH + k) * CHUNK, CHUNK)])
    pltpu.sync_copy(onesd_hbm, ones_v)
    plsc.subcore_barrier()

    def body(i, carry):
        base = wid * EW + i * CHUNK
        pltpu.sync_copy(dst_hbm.at[pl.ds(base, CHUNK)], idx_v)
        pltpu.sync_copy(ones_v, part_s.at[idx_v], add=True)
        return carry

    lax.fori_loop(0, NCHUNK, body, 0)
    plsc.subcore_barrier()
    for k in range(ZCH):
        r0 = (s * ZCH + k) * CHUNK
        pltpu.sync_copy(part_s.at[pl.ds(r0, CHUNK)], out_hbm.at[c, pl.ds(r0, CHUNK)])


@functools.lru_cache(maxsize=None)
def _deg_kernel():
    return pl.kernel(
        _deg_body,
        out_type=jax.ShapeDtypeStruct((NC, NP, D), jnp.float32),
        mesh=_mesh(),
        scratch_types=[
            pltpu.VMEM((CHUNK,), jnp.int32),
            pltpu.VMEM((CHUNK, D), jnp.float32),
            pltpu.VMEM_SHARED((NP, D), jnp.float32),
        ],
    )


def _deg_call(dst_p, zerosd, onesd):
    return _deg_kernel()(dst_p, zerosd, onesd)


def _scatter_body(y_hbm, src_hbm, dst_hbm, zerosd_hbm, out_hbm,
                  isrc_v, idst_v, rows_v, part_s, sem):
    c = lax.axis_index("c")
    s = lax.axis_index("s")
    wid = s * NC + c
    for k in range(ZCH):
        pltpu.sync_copy(zerosd_hbm, part_s.at[pl.ds((s * ZCH + k) * CHUNK, CHUNK)])
    plsc.subcore_barrier()

    def body(i, carry):
        base = wid * EW + i * CHUNK
        pltpu.sync_copy(src_hbm.at[pl.ds(base, CHUNK)], isrc_v)
        pltpu.async_copy(y_hbm.at[isrc_v], rows_v, sem).wait()
        pltpu.sync_copy(dst_hbm.at[pl.ds(base, CHUNK)], idst_v)
        pltpu.sync_copy(rows_v, part_s.at[idst_v], add=True)
        return carry

    lax.fori_loop(0, NCHUNK, body, 0)
    plsc.subcore_barrier()
    for k in range(ZCH):
        r0 = (s * ZCH + k) * CHUNK
        pltpu.sync_copy(part_s.at[pl.ds(r0, CHUNK)], out_hbm.at[c, pl.ds(r0, CHUNK)])


@functools.lru_cache(maxsize=None)
def _scatter_kernel():
    return pl.kernel(
        _scatter_body,
        out_type=jax.ShapeDtypeStruct((NC, NP, D), jnp.float32),
        mesh=_mesh(),
        scratch_types=[
            pltpu.VMEM((CHUNK,), jnp.int32),
            pltpu.VMEM((CHUNK,), jnp.int32),
            pltpu.VMEM((CHUNK, D), jnp.float32),
            pltpu.VMEM_SHARED((NP, D), jnp.float32),
            pltpu.SemaphoreType.DMA,
        ],
    )


def _scatter_call(y, src_p, dst_p, zerosd):
    return _scatter_kernel()(y, src_p, dst_p, zerosd)


BLK = 1000


def _prep_kernel(dp_ref, x_ref, dinv_ref, y_ref):
    dp = dp_ref[...]
    deg = dp[0, :, :1] + dp[1, :, :1] + 1.0
    dinv = lax.rsqrt(deg)
    db = jnp.broadcast_to(dinv, (BLK, D))
    dinv_ref[...] = db
    y_ref[...] = x_ref[...] * db


def _prep_call(deg_parts, x):
    return pl.pallas_call(
        _prep_kernel,
        grid=(N // BLK,),
        in_specs=[
            pl.BlockSpec((NC, BLK, D), lambda i: (0, i, 0)),
            pl.BlockSpec((BLK, D), lambda i: (i, 0)),
        ],
        out_specs=[
            pl.BlockSpec((BLK, D), lambda i: (i, 0)),
            pl.BlockSpec((BLK, D), lambda i: (i, 0)),
        ],
        out_shape=[
            jax.ShapeDtypeStruct((N, D), jnp.float32),
            jax.ShapeDtypeStruct((N, D), jnp.float32),
        ],
    )(deg_parts, x)


def _layer_kernel(sp_ref, y_ref, xin_ref, dinv_ref, w_ref, h_ref, ynext_ref):
    sp = sp_ref[...]
    agg = dinv_ref[...] * (sp[0] + sp[1] + y_ref[...])
    t = (1.0 - ALPHA) * agg + ALPHA * xin_ref[...]
    h = jnp.dot(t, w_ref[...], preferred_element_type=jnp.float32)
    h_ref[...] = h
    ynext_ref[...] = h * dinv_ref[...]


def _layer_call(s_parts, y, x_in, dinv_b, w):
    return pl.pallas_call(
        _layer_kernel,
        grid=(N // BLK,),
        in_specs=[
            pl.BlockSpec((NC, BLK, D), lambda i: (0, i, 0)),
            pl.BlockSpec((BLK, D), lambda i: (i, 0)),
            pl.BlockSpec((BLK, D), lambda i: (i, 0)),
            pl.BlockSpec((BLK, D), lambda i: (i, 0)),
            pl.BlockSpec((D, D), lambda i: (0, 0)),
        ],
        out_specs=[
            pl.BlockSpec((BLK, D), lambda i: (i, 0)),
            pl.BlockSpec((BLK, D), lambda i: (i, 0)),
        ],
        out_shape=[
            jax.ShapeDtypeStruct((N, D), jnp.float32),
            jax.ShapeDtypeStruct((N, D), jnp.float32),
        ],
    )(s_parts, y, x_in, dinv_b, w)


def kernel(x, edge_index, W1, W2):
    src = edge_index[0]
    dst = edge_index[1]
    pad = E_PAD - E
    src_p = jnp.concatenate([src, jnp.zeros((pad,), jnp.int32)])
    dst_p = jnp.concatenate([dst, jnp.full((pad,), N, jnp.int32)])
    zerosd = jnp.zeros((CHUNK, D), jnp.float32)
    onesd = jnp.ones((CHUNK, D), jnp.float32)

    deg_parts = _deg_call(dst_p, zerosd, onesd)
    dinv_b, y1 = _prep_call(deg_parts, x)
    s1 = _scatter_call(y1, src_p, dst_p, zerosd)
    h1, y2 = _layer_call(s1, y1, x, dinv_b, W1)
    s2 = _scatter_call(y2, src_p, dst_p, zerosd)
    h2, _ = _layer_call(s2, y2, h1, dinv_b, W2)
    return h2

# --- scband reference (transcript-rebuilt; emitter-appended) ---
"""Pipeline reference for scband-gcn2-conv-encoder-22316650070983 (READ-ONLY COPY).

The authoritative reference and input builder live on the scoring server;
editing this copy changes nothing except your own understanding.
"""

import jax, jax.numpy as jnp
import numpy as np

N = 10000
D = 128
E = 320000
ALPHA = 0.1


def setup_inputs(seed: int = 0) -> dict:
    key = jax.random.key(seed)
    k1, k2, k3, k4 = jax.random.split(key, 4)
    x = jax.random.normal(k1, (N, D), dtype=jnp.float32)
    edge_index = jax.random.randint(k2, (2, E), 0, N, dtype=jnp.int32)
    W1 = jax.random.normal(k3, (D, D), dtype=jnp.float32) * 0.05
    W2 = jax.random.normal(k4, (D, D), dtype=jnp.float32) * 0.05
    return {"x": x, "edge_index": edge_index, "W1": W1, "W2": W2}


def gcn2_layer(x, edge_index, w, alpha=ALPHA):
    # GCNII layer (GCN2Conv): sym-normalized propagation with self loops,
    # initial residual (x_0 = layer input here, since forward only receives x),
    # then identity-mapping weight applied with beta=1 (theta/layer unset).
    n = x.shape[0]
    loop = jnp.arange(n, dtype=edge_index.dtype)
    src = jnp.concatenate([edge_index[0], loop])
    dst = jnp.concatenate([edge_index[1], loop])
    deg = jax.ops.segment_sum(jnp.ones(src.shape[0], dtype=x.dtype), dst, num_segments=n)
    dinv = jnp.where(deg > 0, 1.0 / jnp.sqrt(jnp.where(deg > 0, deg, 1.0)), 0.0)
    norm = dinv[src] * dinv[dst]
    msg = x[src] * norm[:, None]
    agg = jax.ops.segment_sum(msg, dst, num_segments=n)
    h = (1.0 - alpha) * agg + alpha * x
    return h @ w


def reference(x, edge_index, W1, W2):
    h = gcn2_layer(x, edge_index, W1)
    h = gcn2_layer(h, edge_index, W2)
    return h

if __name__ == "__main__":
    import jax
    _d = setup_inputs()
    print(jax.jit(kernel)(*tuple(_d.values())))

</pallas_src>

<mosaic_0001>
#map = affine_map<(d0, d1) -> (0)>
#map1 = affine_map<(d0, d1) -> (0, 0)>
#map2 = affine_map<(d0, d1) -> (0, 0, 0)>
module attributes {stable_mosaic.version = 14 : i64} {
  func.func @_deg_body(%arg0: i32, %arg1: i32, %arg2: memref<323584xi32, #tpu.memory_space<hbm>>, %arg3: memref<128x128xf32, #tpu.memory_space<hbm>>, %arg4: memref<128x128xf32, #tpu.memory_space<hbm>>, %arg5: memref<2x10240x128xf32, #tpu.memory_space<hbm>>, %arg6: memref<128xi32, #tpu.memory_space<vmem>>, %arg7: memref<128x128xf32, #tpu.memory_space<vmem>>, %arg8: memref<10240x128xf32, #tpu.memory_space<vmem_shared>>) attributes {dimension_semantics = [#tpu.dimension_semantics<core_parallel>, #tpu.dimension_semantics<subcore_parallel>], iteration_bounds = array<i64: 2, 16>, scalar_prefetch = 0 : i64, scratch_operands = 3 : i64, tpu.core_type = #tpu.core_type<sc_vector_subcore>, window_params = [{transform_indices = #map}, {transform_indices = #map1}, {transform_indices = #map1}, {transform_indices = #map2}]} {
    %mul3A = arith.constant 2 : i32
    %mul3A_0 = arith.muli %arg1, %mul3A : i32
    %add3A = arith.addi %mul3A_0, %arg0 : i32
    %mul3A_1 = arith.constant 5 : i32
    %mul3A_2 = arith.muli %arg1, %mul3A_1 : i32
    %add3A_3 = arith.constant 0 : i32
    %add3A_4 = arith.addi %mul3A_2, %add3A_3 : i32
    %mul3A_5 = arith.constant 128 : i32
    %mul3A_6 = arith.muli %add3A_4, %mul3A_5 : i32
    "tpu.region"() ({
      %run_scoped3A = tpu.sem_alloc : memref<!tpu.dma_semaphore, #tpu.memory_space<semaphore_mem>>
      %dma_start3A = arith.constant 0 : i32
      %dma_start3A_67 = tpu.memref_slice %arg8[%mul3A_6, %dma_start3A] : memref<10240x128xf32, #tpu.memory_space<vmem_shared>> -> memref<128x128xf32, #tpu.memory_space<vmem_shared>>
      tpu.enqueue_dma source(%arg3 : memref<128x128xf32, #tpu.memory_space<hbm>>) target(%dma_start3A_67 : memref<128x128xf32, #tpu.memory_space<vmem_shared>>) target_semaphore(%run_scoped3A : memref<!tpu.dma_semaphore, #tpu.memory_space<semaphore_mem>>)
      %dma_wait3A = arith.constant 0 : i32
      %dma_wait3A_68 = tpu.memref_slice %arg8[%mul3A_6, %dma_wait3A] : memref<10240x128xf32, #tpu.memory_space<vmem_shared>> -> memref<128x128xf32, #tpu.memory_space<vmem_shared>>
      tpu.wait_dma2 semaphore(%run_scoped3A : memref<!tpu.dma_semaphore, #tpu.memory_space<semaphore_mem>>) src(%arg3 : memref<128x128xf32, #tpu.memory_space<hbm>>) dst(%dma_wait3A_68 : memref<128x128xf32, #tpu.memory_space<vmem_shared>>)
      tpu.yield
    }) : () -> ()
    %mul3A_7 = arith.constant 5 : i32
    %mul3A_8 = arith.muli %arg1, %mul3A_7 : i32
    %add3A_9 = arith.constant 1 : i32
    %add3A_10 = arith.addi %mul3A_8, %add3A_9 : i32
    %mul3A_11 = arith.constant 128 : i32
    %mul3A_12 = arith.muli %add3A_10, %mul3A_11 : i32
    "tpu.region"() ({
      %run_scoped3A = tpu.sem_alloc : memref<!tpu.dma_semaphore, #tpu.memory_space<semaphore_mem>>
      %dma_start3A = arith.constant 0 : i32
      %dma_start3A_67 = tpu.memref_slice %arg8[%mul3A_12, %dma_start3A] : memref<10240x128xf32, #tpu.memory_space<vmem_shared>> -> memref<128x128xf32, #tpu.memory_space<vmem_shared>>
      tpu.enqueue_dma source(%arg3 : memref<128x128xf32, #tpu.memory_space<hbm>>) target(%dma_start3A_67 : memref<128x128xf32, #tpu.memory_space<vmem_shared>>) target_semaphore(%run_scoped3A : memref<!tpu.dma_semaphore, #tpu.memory_space<semaphore_mem>>)
      %dma_wait3A = arith.constant 0 : i32
      %dma_wait3A_68 = tpu.memref_slice %arg8[%mul3A_12, %dma_wait3A] : memref<10240x128xf32, #tpu.memory_space<vmem_shared>> -> memref<128x128xf32, #tpu.memory_space<vmem_shared>>
      tpu.wait_dma2 semaphore(%run_scoped3A : memref<!tpu.dma_semaphore, #tpu.memory_space<semaphore_mem>>) src(%arg3 : memref<128x128xf32, #tpu.memory_space<hbm>>) dst(%dma_wait3A_68 : memref<128x128xf32, #tpu.memory_space<vmem_shared>>)
      tpu.yield
    }) : () -> ()
    %mul3A_13 = arith.constant 5 : i32
    %mul3A_14 = arith.muli %arg1, %mul3A_13 : i32
    %add3A_15 = arith.constant 2 : i32
    %add3A_16 = arith.addi %mul3A_14, %add3A_15 : i32
    %mul3A_17 = arith.constant 128 : i32
    %mul3A_18 = arith.muli %add3A_16, %mul3A_17 : i32
    "tpu.region"() ({
      %run_scoped3A = tpu.sem_alloc : memref<!tpu.dma_semaphore, #tpu.memory_space<semaphore_mem>>
      %dma_start3A = arith.constant 0 : i32
      %dma_start3A_67 = tpu.memref_slice %arg8[%mul3A_18, %dma_start3A] : memref<10240x128xf32, #tpu.memory_space<vmem_shared>> -> memref<128x128xf32, #tpu.memory_space<vmem_shared>>
      tpu.enqueue_dma source(%arg3 : memref<128x128xf32, #tpu.memory_space<hbm>>) target(%dma_start3A_67 : memref<128x128xf32, #tpu.memory_space<vmem_shared>>) target_semaphore(%run_scoped3A : memref<!tpu.dma_semaphore, #tpu.memory_space<semaphore_mem>>)
      %dma_wait3A = arith.constant 0 : i32
      %dma_wait3A_68 = tpu.memref_slice %arg8[%mul3A_18, %dma_wait3A] : memref<10240x128xf32, #tpu.memory_space<vmem_shared>> -> memref<128x128xf32, #tpu.memory_space<vmem_shared>>
      tpu.wait_dma2 semaphore(%run_scoped3A : memref<!tpu.dma_semaphore, #tpu.memory_space<semaphore_mem>>) src(%arg3 : memref<128x128xf32, #tpu.memory_space<hbm>>) dst(%dma_wait3A_68 : memref<128x128xf32, #tpu.memory_space<vmem_shared>>)
      tpu.yield
    }) : () -> ()
    %mul3A_19 = arith.constant 5 : i32
    %mul3A_20 = arith.muli %arg1, %mul3A_19 : i32
    %add3A_21 = arith.constant 3 : i32
    %add3A_22 = arith.addi %mul3A_20, %add3A_21 : i32
    %mul3A_23 = arith.constant 128 : i32
    %mul3A_24 = arith.muli %add3A_22, %mul3A_23 : i32
    "tpu.region"() ({
      %run_scoped3A = tpu.sem_alloc : memref<!tpu.dma_semaphore, #tpu.memory_space<semaphore_mem>>
      %dma_start3A = arith.constant 0 : i32
      %dma_start3A_67 = tpu.memref_slice %arg8[%mul3A_24, %dma_start3A] : memref<10240x128xf32, #tpu.memory_space<vmem_shared>> -> memref<128x128xf32, #tpu.memory_space<vmem_shared>>
      tpu.enqueue_dma source(%arg3 : memref<128x128xf32, #tpu.memory_space<hbm>>) target(%dma_start3A_67 : memref<128x128xf32, #tpu.memory_space<vmem_shared>>) target_semaphore(%run_scoped3A : memref<!tpu.dma_semaphore, #tpu.memory_space<semaphore_mem>>)
      %dma_wait3A = arith.constant 0 : i32
      %dma_wait3A_68 = tpu.memref_slice %arg8[%mul3A_24, %dma_wait3A] : memref<10240x128xf32, #tpu.memory_space<vmem_shared>> -> memref<128x128xf32, #tpu.memory_space<vmem_shared>>
      tpu.wait_dma2 semaphore(%run_scoped3A : memref<!tpu.dma_semaphore, #tpu.memory_space<semaphore_mem>>) src(%arg3 : memref<128x128xf32, #tpu.memory_space<hbm>>) dst(%dma_wait3A_68 : memref<128x128xf32, #tpu.memory_space<vmem_shared>>)
      tpu.yield
    }) : () -> ()
    %mul3A_25 = arith.constant 5 : i32
    %mul3A_26 = arith.muli %arg1, %mul3A_25 : i32
    %add3A_27 = arith.constant 4 : i32
    %add3A_28 = arith.addi %mul3A_26, %add3A_27 : i32
    %mul3A_29 = arith.constant 128 : i32
    %mul3A_30 = arith.muli %add3A_28, %mul3A_29 : i32
    "tpu.region"() ({
      %run_scoped3A = tpu.sem_alloc : memref<!tpu.dma_semaphore, #tpu.memory_space<semaphore_mem>>
      %dma_start3A = arith.constant 0 : i32
      %dma_start3A_67 = tpu.memref_slice %arg8[%mul3A_30, %dma_start3A] : memref<10240x128xf32, #tpu.memory_space<vmem_shared>> -> memref<128x128xf32, #tpu.memory_space<vmem_shared>>
      tpu.enqueue_dma source(%arg3 : memref<128x128xf32, #tpu.memory_space<hbm>>) target(%dma_start3A_67 : memref<128x128xf32, #tpu.memory_space<vmem_shared>>) target_semaphore(%run_scoped3A : memref<!tpu.dma_semaphore, #tpu.memory_space<semaphore_mem>>)
      %dma_wait3A = arith.constant 0 : i32
      %dma_wait3A_68 = tpu.memref_slice %arg8[%mul3A_30, %dma_wait3A] : memref<10240x128xf32, #tpu.memory_space<vmem_shared>> -> memref<128x128xf32, #tpu.memory_space<vmem_shared>>
      tpu.wait_dma2 semaphore(%run_scoped3A : memref<!tpu.dma_semaphore, #tpu.memory_space<semaphore_mem>>) src(%arg3 : memref<128x128xf32, #tpu.memory_space<hbm>>) dst(%dma_wait3A_68 : memref<128x128xf32, #tpu.memory_space<vmem_shared>>)
      tpu.yield
    }) : () -> ()
    "tpu.region"() ({
      %run_scoped3A = tpu.sem_alloc : memref<!tpu.dma_semaphore, #tpu.memory_space<semaphore_mem>>
      tpu.enqueue_dma source(%arg4 : memref<128x128xf32, #tpu.memory_space<hbm>>) target(%arg7 : memref<128x128xf32, #tpu.memory_space<vmem>>) target_semaphore(%run_scoped3A : memref<!tpu.dma_semaphore, #tpu.memory_space<semaphore_mem>>)
      tpu.wait_dma2 semaphore(%run_scoped3A : memref<!tpu.dma_semaphore, #tpu.memory_space<semaphore_mem>>) src(%arg4 : memref<128x128xf32, #tpu.memory_space<hbm>>) dst(%arg7 : memref<128x128xf32, #tpu.memory_space<vmem>>)
      tpu.yield
    }) : () -> ()
    %barrier3A = arith.constant 0 : index
    tpu.barrier barrier_id(%barrier3A)
    %scan3A = arith.constant 0 : i32
    %scan3A_31 = arith.constant 0 : i32
    %scan3A_32 = arith.constant 79 : i32
    %scan3A_33 = arith.addi %scan3A_31, %scan3A_32 : i32
    %scan3A_34 = arith.constant 1 : i32
    scf.for %scan3A_67 = %scan3A_31 to %scan3A_33 step %scan3A_34  : i32 {
      %mul3A_68 = arith.constant 10112 : i32
      %mul3A_69 = arith.muli %add3A, %mul3A_68 : i32
      %mul3A_70 = arith.constant 128 : i32
      %mul3A_71 = arith.muli %scan3A_67, %mul3A_70 : i32
      %add3A_72 = arith.addi %mul3A_69, %mul3A_71 : i32
      "tpu.region"() ({
        %run_scoped3A = tpu.sem_alloc : memref<!tpu.dma_semaphore, #tpu.memory_space<semaphore_mem>>
        %dma_start3A = tpu.memref_slice %arg2[%add3A_72] : memref<323584xi32, #tpu.memory_space<hbm>> -> memref<128xi32, #tpu.memory_space<hbm>>
        %dma_start3A_73 = tpu.memref_slice %arg2[%add3A_72] : memref<323584xi32, #tpu.memory_space<hbm>> -> memref<128xi32, #tpu.memory_space<hbm>>
        tpu.enqueue_dma source(%dma_start3A_73 : memref<128xi32, #tpu.memory_space<hbm>>) target(%arg6 : memref<128xi32, #tpu.memory_space<vmem>>) target_semaphore(%run_scoped3A : memref<!tpu.dma_semaphore, #tpu.memory_space<semaphore_mem>>)
        %dma_wait3A = tpu.memref_slice %arg2[%add3A_72] : memref<323584xi32, #tpu.memory_space<hbm>> -> memref<128xi32, #tpu.memory_space<hbm>>
        %dma_wait3A_74 = tpu.memref_slice %arg2[%add3A_72] : memref<323584xi32, #tpu.memory_space<hbm>> -> memref<128xi32, #tpu.memory_space<hbm>>
        tpu.wait_dma2 semaphore(%run_scoped3A : memref<!tpu.dma_semaphore, #tpu.memory_space<semaphore_mem>>) src(%dma_wait3A_74 : memref<128xi32, #tpu.memory_space<hbm>>) dst(%arg6 : memref<128xi32, #tpu.memory_space<vmem>>)
        tpu.yield
      }) : () -> ()
      "tpu.region"() ({
        %run_scoped3A = tpu.sem_alloc : memref<!tpu.dma_semaphore, #tpu.memory_space<semaphore_mem>>
        %dma_start3A = arith.constant 0 : i32
        %dma_start3A_73 = arith.constant 0 : i32
        %dma_start3A_74 = tpu.memref_slice %arg8[%dma_start3A, %dma_start3A_73] : memref<10240x128xf32, #tpu.memory_space<vmem_shared>> -> memref<10240x128xf32, #tpu.memory_space<vmem_shared>>
        tpu.enqueue_indirect_dma source(%arg7 : memref<128x128xf32, #tpu.memory_space<vmem>>) target(%dma_start3A_74 : memref<10240x128xf32, #tpu.memory_space<vmem_shared>>) offsets(%arg6 : memref<128xi32, #tpu.memory_space<vmem>>) semaphore(%run_scoped3A : memref<!tpu.dma_semaphore, #tpu.memory_space<semaphore_mem>>) {add = true}
        %dma_wait3A = arith.constant 0 : i32
        %dma_wait3A_75 = arith.constant 0 : i32
        %dma_wait3A_76 = tpu.memref_slice %arg8[%dma_wait3A, %dma_wait3A_75] : memref<10240x128xf32, #tpu.memory_space<vmem_shared>> -> memref<10240x128xf32, #tpu.memory_space<vmem_shared>>
        tpu.wait_indirect_dma semaphore(%run_scoped3A : memref<!tpu.dma_semaphore, #tpu.memory_space<semaphore_mem>>) src(%arg7 : memref<128x128xf32, #tpu.memory_space<vmem>>) dst(%dma_wait3A_76 : memref<10240x128xf32, #tpu.memory_space<vmem_shared>>)
        tpu.yield
      }) : () -> ()
    }
    %scan3A_35 = arith.constant 79 : i32
    %barrier3A_36 = arith.constant 0 : index
    tpu.barrier barrier_id(%barrier3A_36)
    %mul3A_37 = arith.constant 5 : i32
    %mul3A_38 = arith.muli %arg1, %mul3A_37 : i32
    %add3A_39 = arith.constant 0 : i32
    %add3A_40 = arith.addi %mul3A_38, %add3A_39 : i32
    %mul3A_41 = arith.constant 128 : i32
    %mul3A_42 = arith.muli %add3A_40, %mul3A_41 : i32
    "tpu.region"() ({
      %run_scoped3A = tpu.sem_alloc : memref<!tpu.dma_semaphore, #tpu.memory_space<semaphore_mem>>
      %dma_start3A = arith.constant 0 : i32
      %dma_start3A_67 = tpu.memref_slice %arg5[%arg0, %mul3A_42, %dma_start3A] : memref<2x10240x128xf32, #tpu.memory_space<hbm>> -> memref<1x128x128xf32, #tpu.memory_space<hbm>>
      %dma_start3A_68 = tpu.memref_squeeze %dma_start3A_67 : memref<1x128x128xf32, #tpu.memory_space<hbm>> -> memref<128x128xf32, #tpu.memory_space<hbm>>
      %dma_start3A_69 = arith.constant 0 : i32
      %dma_start3A_70 = tpu.memref_slice %arg8[%mul3A_42, %dma_start3A_69] : memref<10240x128xf32, #tpu.memory_space<vmem_shared>> -> memref<128x128xf32, #tpu.memory_space<vmem_shared>>
      tpu.enqueue_dma source(%dma_start3A_70 : memref<128x128xf32, #tpu.memory_space<vmem_shared>>) target(%dma_start3A_68 : memref<128x128xf32, #tpu.memory_space<hbm>>) target_semaphore(%run_scoped3A : memref<!tpu.dma_semaphore, #tpu.memory_space<semaphore_mem>>)
      %dma_wait3A = arith.constant 0 : i32
      %dma_wait3A_71 = tpu.memref_slice %arg5[%arg0, %mul3A_42, %dma_wait3A] : memref<2x10240x128xf32, #tpu.memory_space<hbm>> -> memref<1x128x128xf32, #tpu.memory_space<hbm>>
      %dma_wait3A_72 = tpu.memref_squeeze %dma_wait3A_71 : memref<1x128x128xf32, #tpu.memory_space<hbm>> -> memref<128x128xf32, #tpu.memory_space<hbm>>
      %dma_wait3A_73 = arith.constant 0 : i32
      %dma_wait3A_74 = tpu.memref_slice %arg8[%mul3A_42, %dma_wait3A_73] : memref<10240x128xf32, #tpu.memory_space<vmem_shared>> -> memref<128x128xf32, #tpu.memory_space<vmem_shared>>
      tpu.wait_dma2 semaphore(%run_scoped3A : memref<!tpu.dma_semaphore, #tpu.memory_space<semaphore_mem>>) src(%dma_wait3A_74 : memref<128x128xf32, #tpu.memory_space<vmem_shared>>) dst(%dma_wait3A_72 : memref<128x128xf32, #tpu.memory_space<hbm>>)
      tpu.yield
    }) : () -> ()
    %mul3A_43 = arith.constant 5 : i32
    %mul3A_44 = arith.muli %arg1, %mul3A_43 : i32
    %add3A_45 = arith.constant 1 : i32
    %add3A_46 = arith.addi %mul3A_44, %add3A_45 : i32
    %mul3A_47 = arith.constant 128 : i32
    %mul3A_48 = arith.muli %add3A_46, %mul3A_47 : i32
    "tpu.region"() ({
      %run_scoped3A = tpu.sem_alloc : memref<!tpu.dma_semaphore, #tpu.memory_space<semaphore_mem>>
      %dma_start3A = arith.constant 0 : i32
      %dma_start3A_67 = tpu.memref_slice %arg5[%arg0, %mul3A_48, %dma_start3A] : memref<2x10240x128xf32, #tpu.memory_space<hbm>> -> memref<1x128x128xf32, #tpu.memory_space<hbm>>
      %dma_start3A_68 = tpu.memref_squeeze %dma_start3A_67 : memref<1x128x128xf32, #tpu.memory_space<hbm>> -> memref<128x128xf32, #tpu.memory_space<hbm>>
      %dma_start3A_69 = arith.constant 0 : i32
      %dma_start3A_70 = tpu.memref_slice %arg8[%mul3A_48, %dma_start3A_69] : memref<10240x128xf32, #tpu.memory_space<vmem_shared>> -> memref<128x128xf32, #tpu.memory_space<vmem_shared>>
      tpu.enqueue_dma source(%dma_start3A_70 : memref<128x128xf32, #tpu.memory_space<vmem_shared>>) target(%dma_start3A_68 : memref<128x128xf32, #tpu.memory_space<hbm>>) target_semaphore(%run_scoped3A : memref<!tpu.dma_semaphore, #tpu.memory_space<semaphore_mem>>)
      %dma_wait3A = arith.constant 0 : i32
      %dma_wait3A_71 = tpu.memref_slice %arg5[%arg0, %mul3A_48, %dma_wait3A] : memref<2x10240x128xf32, #tpu.memory_space<hbm>> -> memref<1x128x128xf32, #tpu.memory_space<hbm>>
      %dma_wait3A_72 = tpu.memref_squeeze %dma_wait3A_71 : memref<1x128x128xf32, #tpu.memory_space<hbm>> -> memref<128x128xf32, #tpu.memory_space<hbm>>
      %dma_wait3A_73 = arith.constant 0 : i32
      %dma_wait3A_74 = tpu.memref_slice %arg8[%mul3A_48, %dma_wait3A_73] : memref<10240x128xf32, #tpu.memory_space<vmem_shared>> -> memref<128x128xf32, #tpu.memory_space<vmem_shared>>
      tpu.wait_dma2 semaphore(%run_scoped3A : memref<!tpu.dma_semaphore, #tpu.memory_space<semaphore_mem>>) src(%dma_wait3A_74 : memref<128x128xf32, #tpu.memory_space<vmem_shared>>) dst(%dma_wait3A_72 : memref<128x128xf32, #tpu.memory_space<hbm>>)
      tpu.yield
    }) : () -> ()
    %mul3A_49 = arith.constant 5 : i32
    %mul3A_50 = arith.muli %arg1, %mul3A_49 : i32
    %add3A_51 = arith.constant 2 : i32
    %add3A_52 = arith.addi %mul3A_50, %add3A_51 : i32
    %mul3A_53 = arith.constant 128 : i32
    %mul3A_54 = arith.muli %add3A_52, %mul3A_53 : i32
    "tpu.region"() ({
      %run_scoped3A = tpu.sem_alloc : memref<!tpu.dma_semaphore, #tpu.memory_space<semaphore_mem>>
      %dma_start3A = arith.constant 0 : i32
      %dma_start3A_67 = tpu.memref_slice %arg5[%arg0, %mul3A_54, %dma_start3A] : memref<2x10240x128xf32, #tpu.memory_space<hbm>> -> memref<1x128x128xf32, #tpu.memory_space<hbm>>
      %dma_start3A_68 = tpu.memref_squeeze %dma_start3A_67 : memref<1x128x128xf32, #tpu.memory_space<hbm>> -> memref<128x128xf32, #tpu.memory_space<hbm>>
      %dma_start3A_69 = arith.constant 0 : i32
      %dma_start3A_70 = tpu.memref_slice %arg8[%mul3A_54, %dma_start3A_69] : memref<10240x128xf32, #tpu.memory_space<vmem_shared>> -> memref<128x128xf32, #tpu.memory_space<vmem_shared>>
      tpu.enqueue_dma source(%dma_start3A_70 : memref<128x128xf32, #tpu.memory_space<vmem_shared>>) target(%dma_start3A_68 : memref<128x128xf32, #tpu.memory_space<hbm>>) target_semaphore(%run_scoped3A : memref<!tpu.dma_semaphore, #tpu.memory_space<semaphore_mem>>)
      %dma_wait3A = arith.constant 0 : i32
      %dma_wait3A_71 = tpu.memref_slice %arg5[%arg0, %mul3A_54, %dma_wait3A] : memref<2x10240x128xf32, #tpu.memory_space<hbm>> -> memref<1x128x128xf32, #tpu.memory_space<hbm>>
      %dma_wait3A_72 = tpu.memref_squeeze %dma_wait3A_71 : memref<1x128x128xf32, #tpu.memory_space<hbm>> -> memref<128x128xf32, #tpu.memory_space<hbm>>
      %dma_wait3A_73 = arith.constant 0 : i32
      %dma_wait3A_74 = tpu.memref_slice %arg8[%mul3A_54, %dma_wait3A_73] : memref<10240x128xf32, #tpu.memory_space<vmem_shared>> -> memref<128x128xf32, #tpu.memory_space<vmem_shared>>
      tpu.wait_dma2 semaphore(%run_scoped3A : memref<!tpu.dma_semaphore, #tpu.memory_space<semaphore_mem>>) src(%dma_wait3A_74 : memref<128x128xf32, #tpu.memory_space<vmem_shared>>) dst(%dma_wait3A_72 : memref<128x128xf32, #tpu.memory_space<hbm>>)
      tpu.yield
    }) : () -> ()
    %mul3A_55 = arith.constant 5 : i32
    %mul3A_56 = arith.muli %arg1, %mul3A_55 : i32
    %add3A_57 = arith.constant 3 : i32
    %add3A_58 = arith.addi %mul3A_56, %add3A_57 : i32
    %mul3A_59 = arith.constant 128 : i32
    %mul3A_60 = arith.muli %add3A_58, %mul3A_59 : i32
    "tpu.region"() ({
      %run_scoped3A = tpu.sem_alloc : memref<!tpu.dma_semaphore, #tpu.memory_space<semaphore_mem>>
      %dma_start3A = arith.constant 0 : i32
      %dma_start3A_67 = tpu.memref_slice %arg5[%arg0, %mul3A_60, %dma_start3A] : memref<2x10240x128xf32, #tpu.memory_space<hbm>> -> memref<1x128x128xf32, #tpu.memory_space<hbm>>
      %dma_start3A_68 = tpu.memref_squeeze %dma_start3A_67 : memref<1x128x128xf32, #tpu.memory_space<hbm>> -> memref<128x128xf32, #tpu.memory_space<hbm>>
      %dma_start3A_69 = arith.constant 0 : i32
      %dma_start3A_70 = tpu.memref_slice %arg8[%mul3A_60, %dma_start3A_69] : memref<10240x128xf32, #tpu.memory_space<vmem_shared>> -> memref<128x128xf32, #tpu.memory_space<vmem_shared>>
      tpu.enqueue_dma source(%dma_start3A_70 : memref<128x128xf32, #tpu.memory_space<vmem_shared>>) target(%dma_start3A_68 : memref<128x128xf32, #tpu.memory_space<hbm>>) target_semaphore(%run_scoped3A : memref<!tpu.dma_semaphore, #tpu.memory_space<semaphore_mem>>)
      %dma_wait3A = arith.constant 0 : i32
      %dma_wait3A_71 = tpu.memref_slice %arg5[%arg0, %mul3A_60, %dma_wait3A] : memref<2x10240x128xf32, #tpu.memory_space<hbm>> -> memref<1x128x128xf32, #tpu.memory_space<hbm>>
      %dma_wait3A_72 = tpu.memref_squeeze %dma_wait3A_71 : memref<1x128x128xf32, #tpu.memory_space<hbm>> -> memref<128x128xf32, #tpu.memory_space<hbm>>
      %dma_wait3A_73 = arith.constant 0 : i32
      %dma_wait3A_74 = tpu.memref_slice %arg8[%mul3A_60, %dma_wait3A_73] : memref<10240x128xf32, #tpu.memory_space<vmem_shared>> -> memref<128x128xf32, #tpu.memory_space<vmem_shared>>
      tpu.wait_dma2 semaphore(%run_scoped3A : memref<!tpu.dma_semaphore, #tpu.memory_space<semaphore_mem>>) src(%dma_wait3A_74 : memref<128x128xf32, #tpu.memory_space<vmem_shared>>) dst(%dma_wait3A_72 : memref<128x128xf32, #tpu.memory_space<hbm>>)
      tpu.yield
    }) : () -> ()
    %mul3A_61 = arith.constant 5 : i32
    %mul3A_62 = arith.muli %arg1, %mul3A_61 : i32
    %add3A_63 = arith.constant 4 : i32
    %add3A_64 = arith.addi %mul3A_62, %add3A_63 : i32
    %mul3A_65 = arith.constant 128 : i32
    %mul3A_66 = arith.muli %add3A_64, %mul3A_65 : i32
    "tpu.region"() ({
      %run_scoped3A = tpu.sem_alloc : memref<!tpu.dma_semaphore, #tpu.memory_space<semaphore_mem>>
      %dma_start3A = arith.constant 0 : i32
      %dma_start3A_67 = tpu.memref_slice %arg5[%arg0, %mul3A_66, %dma_start3A] : memref<2x10240x128xf32, #tpu.memory_space<hbm>> -> memref<1x128x128xf32, #tpu.memory_space<hbm>>
      %dma_start3A_68 = tpu.memref_squeeze %dma_start3A_67 : memref<1x128x128xf32, #tpu.memory_space<hbm>> -> memref<128x128xf32, #tpu.memory_space<hbm>>
      %dma_start3A_69 = arith.constant 0 : i32
      %dma_start3A_70 = tpu.memref_slice %arg8[%mul3A_66, %dma_start3A_69] : memref<10240x128xf32, #tpu.memory_space<vmem_shared>> -> memref<128x128xf32, #tpu.memory_space<vmem_shared>>
      tpu.enqueue_dma source(%dma_start3A_70 : memref<128x128xf32, #tpu.memory_space<vmem_shared>>) target(%dma_start3A_68 : memref<128x128xf32, #tpu.memory_space<hbm>>) target_semaphore(%run_scoped3A : memref<!tpu.dma_semaphore, #tpu.memory_space<semaphore_mem>>)
      %dma_wait3A = arith.constant 0 : i32
      %dma_wait3A_71 = tpu.memref_slice %arg5[%arg0, %mul3A_66, %dma_wait3A] : memref<2x10240x128xf32, #tpu.memory_space<hbm>> -> memref<1x128x128xf32, #tpu.memory_space<hbm>>
      %dma_wait3A_72 = tpu.memref_squeeze %dma_wait3A_71 : memref<1x128x128xf32, #tpu.memory_space<hbm>> -> memref<128x128xf32, #tpu.memory_space<hbm>>
      %dma_wait3A_73 = arith.constant 0 : i32
      %dma_wait3A_74 = tpu.memref_slice %arg8[%mul3A_66, %dma_wait3A_73] : memref<10240x128xf32, #tpu.memory_space<vmem_shared>> -> memref<128x128xf32, #tpu.memory_space<vmem_shared>>
      tpu.wait_dma2 semaphore(%run_scoped3A : memref<!tpu.dma_semaphore, #tpu.memory_space<semaphore_mem>>) src(%dma_wait3A_74 : memref<128x128xf32, #tpu.memory_space<vmem_shared>>) dst(%dma_wait3A_72 : memref<128x128xf32, #tpu.memory_space<hbm>>)
      tpu.yield
    }) : () -> ()
    return
  }
}

#map = affine_map<(d0, d1) -> (0, 0)>
#map1 = affine_map<(d0, d1) -> (0)>
#map2 = affine_map<(d0, d1) -> (0, 0, 0)>
module attributes {stable_mosaic.version = 14 : i64} {
  func.func @_scatter_body(%arg0: i32, %arg1: i32, %arg2: memref<10000x128xf32, #tpu.memory_space<hbm>>, %arg3: memref<323584xi32, #tpu.memory_space<hbm>>, %arg4: memref<323584xi32, #tpu.memory_space<hbm>>, %arg5: memref<128x128xf32, #tpu.memory_space<hbm>>, %arg6: memref<2x10240x128xf32, #tpu.memory_space<hbm>>, %arg7: memref<128xi32, #tpu.memory_space<vmem>>, %arg8: memref<128xi32, #tpu.memory_space<vmem>>, %arg9: memref<128x128xf32, #tpu.memory_space<vmem>>, %arg10: memref<10240x128xf32, #tpu.memory_space<vmem_shared>>, %arg11: memref<!tpu.dma_semaphore, #tpu.memory_space<semaphore_mem>>) attributes {dimension_semantics = [#tpu.dimension_semantics<core_parallel>, #tpu.dimension_semantics<subcore_parallel>], iteration_bounds = array<i64: 2, 16>, scalar_prefetch = 0 : i64, scratch_operands = 5 : i64, tpu.core_type = #tpu.core_type<sc_vector_subcore>, window_params = [{transform_indices = #map}, {transform_indices = #map1}, {transform_indices = #map1}, {transform_indices = #map}, {transform_indices = #map2}]} {
    %mul3A = arith.constant 2 : i32
    %mul3A_0 = arith.muli %arg1, %mul3A : i32
    %add3A = arith.addi %mul3A_0, %arg0 : i32
    %mul3A_1 = arith.constant 5 : i32
    %mul3A_2 = arith.muli %arg1, %mul3A_1 : i32
    %add3A_3 = arith.constant 0 : i32
    %add3A_4 = arith.addi %mul3A_2, %add3A_3 : i32
    %mul3A_5 = arith.constant 128 : i32
    %mul3A_6 = arith.muli %add3A_4, %mul3A_5 : i32
    "tpu.region"() ({
      %run_scoped3A = tpu.sem_alloc : memref<!tpu.dma_semaphore, #tpu.memory_space<semaphore_mem>>
      %dma_start3A = arith.constant 0 : i32
      %dma_start3A_67 = tpu.memref_slice %arg10[%mul3A_6, %dma_start3A] : memref<10240x128xf32, #tpu.memory_space<vmem_shared>> -> memref<128x128xf32, #tpu.memory_space<vmem_shared>>
      tpu.enqueue_dma source(%arg5 : memref<128x128xf32, #tpu.memory_space<hbm>>) target(%dma_start3A_67 : memref<128x128xf32, #tpu.memory_space<vmem_shared>>) target_semaphore(%run_scoped3A : memref<!tpu.dma_semaphore, #tpu.memory_space<semaphore_mem>>)
      %dma_wait3A = arith.constant 0 : i32
      %dma_wait3A_68 = tpu.memref_slice %arg10[%mul3A_6, %dma_wait3A] : memref<10240x128xf32, #tpu.memory_space<vmem_shared>> -> memref<128x128xf32, #tpu.memory_space<vmem_shared>>
      tpu.wait_dma2 semaphore(%run_scoped3A : memref<!tpu.dma_semaphore, #tpu.memory_space<semaphore_mem>>) src(%arg5 : memref<128x128xf32, #tpu.memory_space<hbm>>) dst(%dma_wait3A_68 : memref<128x128xf32, #tpu.memory_space<vmem_shared>>)
      tpu.yield
    }) : () -> ()
    %mul3A_7 = arith.constant 5 : i32
    %mul3A_8 = arith.muli %arg1, %mul3A_7 : i32
    %add3A_9 = arith.constant 1 : i32
    %add3A_10 = arith.addi %mul3A_8, %add3A_9 : i32
    %mul3A_11 = arith.constant 128 : i32
    %mul3A_12 = arith.muli %add3A_10, %mul3A_11 : i32
    "tpu.region"() ({
      %run_scoped3A = tpu.sem_alloc : memref<!tpu.dma_semaphore, #tpu.memory_space<semaphore_mem>>
      %dma_start3A = arith.constant 0 : i32
      %dma_start3A_67 = tpu.memref_slice %arg10[%mul3A_12, %dma_start3A] : memref<10240x128xf32, #tpu.memory_space<vmem_shared>> -> memref<128x128xf32, #tpu.memory_space<vmem_shared>>
      tpu.enqueue_dma source(%arg5 : memref<128x128xf32, #tpu.memory_space<hbm>>) target(%dma_start3A_67 : memref<128x128xf32, #tpu.memory_space<vmem_shared>>) target_semaphore(%run_scoped3A : memref<!tpu.dma_semaphore, #tpu.memory_space<semaphore_mem>>)
      %dma_wait3A = arith.constant 0 : i32
      %dma_wait3A_68 = tpu.memref_slice %arg10[%mul3A_12, %dma_wait3A] : memref<10240x128xf32, #tpu.memory_space<vmem_shared>> -> memref<128x128xf32, #tpu.memory_space<vmem_shared>>
      tpu.wait_dma2 semaphore(%run_scoped3A : memref<!tpu.dma_semaphore, #tpu.memory_space<semaphore_mem>>) src(%arg5 : memref<128x128xf32, #tpu.memory_space<hbm>>) dst(%dma_wait3A_68 : memref<128x128xf32, #tpu.memory_space<vmem_shared>>)
      tpu.yield
    }) : () -> ()
    %mul3A_13 = arith.constant 5 : i32
    %mul3A_14 = arith.muli %arg1, %mul3A_13 : i32
    %add3A_15 = arith.constant 2 : i32
    %add3A_16 = arith.addi %mul3A_14, %add3A_15 : i32
    %mul3A_17 = arith.constant 128 : i32
    %mul3A_18 = arith.muli %add3A_16, %mul3A_17 : i32
    "tpu.region"() ({
      %run_scoped3A = tpu.sem_alloc : memref<!tpu.dma_semaphore, #tpu.memory_space<semaphore_mem>>
      %dma_start3A = arith.constant 0 : i32
      %dma_start3A_67 = tpu.memref_slice %arg10[%mul3A_18, %dma_start3A] : memref<10240x128xf32, #tpu.memory_space<vmem_shared>> -> memref<128x128xf32, #tpu.memory_space<vmem_shared>>
      tpu.enqueue_dma source(%arg5 : memref<128x128xf32, #tpu.memory_space<hbm>>) target(%dma_start3A_67 : memref<128x128xf32, #tpu.memory_space<vmem_shared>>) target_semaphore(%run_scoped3A : memref<!tpu.dma_semaphore, #tpu.memory_space<semaphore_mem>>)
      %dma_wait3A = arith.constant 0 : i32
      %dma_wait3A_68 = tpu.memref_slice %arg10[%mul3A_18, %dma_wait3A] : memref<10240x128xf32, #tpu.memory_space<vmem_shared>> -> memref<128x128xf32, #tpu.memory_space<vmem_shared>>
      tpu.wait_dma2 semaphore(%run_scoped3A : memref<!tpu.dma_semaphore, #tpu.memory_space<semaphore_mem>>) src(%arg5 : memref<128x128xf32, #tpu.memory_space<hbm>>) dst(%dma_wait3A_68 : memref<128x128xf32, #tpu.memory_space<vmem_shared>>)
      tpu.yield
    }) : () -> ()
    %mul3A_19 = arith.constant 5 : i32
    %mul3A_20 = arith.muli %arg1, %mul3A_19 : i32
    %add3A_21 = arith.constant 3 : i32
    %add3A_22 = arith.addi %mul3A_20, %add3A_21 : i32
    %mul3A_23 = arith.constant 128 : i32
    %mul3A_24 = arith.muli %add3A_22, %mul3A_23 : i32
    "tpu.region"() ({
      %run_scoped3A = tpu.sem_alloc : memref<!tpu.dma_semaphore, #tpu.memory_space<semaphore_mem>>
      %dma_start3A = arith.constant 0 : i32
      %dma_start3A_67 = tpu.memref_slice %arg10[%mul3A_24, %dma_start3A] : memref<10240x128xf32, #tpu.memory_space<vmem_shared>> -> memref<128x128xf32, #tpu.memory_space<vmem_shared>>
      tpu.enqueue_dma source(%arg5 : memref<128x128xf32, #tpu.memory_space<hbm>>) target(%dma_start3A_67 : memref<128x128xf32, #tpu.memory_space<vmem_shared>>) target_semaphore(%run_scoped3A : memref<!tpu.dma_semaphore, #tpu.memory_space<semaphore_mem>>)
      %dma_wait3A = arith.constant 0 : i32
      %dma_wait3A_68 = tpu.memref_slice %arg10[%mul3A_24, %dma_wait3A] : memref<10240x128xf32, #tpu.memory_space<vmem_shared>> -> memref<128x128xf32, #tpu.memory_space<vmem_shared>>
      tpu.wait_dma2 semaphore(%run_scoped3A : memref<!tpu.dma_semaphore, #tpu.memory_space<semaphore_mem>>) src(%arg5 : memref<128x128xf32, #tpu.memory_space<hbm>>) dst(%dma_wait3A_68 : memref<128x128xf32, #tpu.memory_space<vmem_shared>>)
      tpu.yield
    }) : () -> ()
    %mul3A_25 = arith.constant 5 : i32
    %mul3A_26 = arith.muli %arg1, %mul3A_25 : i32
    %add3A_27 = arith.constant 4 : i32
    %add3A_28 = arith.addi %mul3A_26, %add3A_27 : i32
    %mul3A_29 = arith.constant 128 : i32
    %mul3A_30 = arith.muli %add3A_28, %mul3A_29 : i32
    "tpu.region"() ({
      %run_scoped3A = tpu.sem_alloc : memref<!tpu.dma_semaphore, #tpu.memory_space<semaphore_mem>>
      %dma_start3A = arith.constant 0 : i32
      %dma_start3A_67 = tpu.memref_slice %arg10[%mul3A_30, %dma_start3A] : memref<10240x128xf32, #tpu.memory_space<vmem_shared>> -> memref<128x128xf32, #tpu.memory_space<vmem_shared>>
      tpu.enqueue_dma source(%arg5 : memref<128x128xf32, #tpu.memory_space<hbm>>) target(%dma_start3A_67 : memref<128x128xf32, #tpu.memory_space<vmem_shared>>) target_semaphore(%run_scoped3A : memref<!tpu.dma_semaphore, #tpu.memory_space<semaphore_mem>>)
      %dma_wait3A = arith.constant 0 : i32
      %dma_wait3A_68 = tpu.memref_slice %arg10[%mul3A_30, %dma_wait3A] : memref<10240x128xf32, #tpu.memory_space<vmem_shared>> -> memref<128x128xf32, #tpu.memory_space<vmem_shared>>
      tpu.wait_dma2 semaphore(%run_scoped3A : memref<!tpu.dma_semaphore, #tpu.memory_space<semaphore_mem>>) src(%arg5 : memref<128x128xf32, #tpu.memory_space<hbm>>) dst(%dma_wait3A_68 : memref<128x128xf32, #tpu.memory_space<vmem_shared>>)
      tpu.yield
    }) : () -> ()
    %barrier3A = arith.constant 0 : index
    tpu.barrier barrier_id(%barrier3A)
    %scan3A = arith.constant 0 : i32
    %scan3A_31 = arith.constant 0 : i32
    %scan3A_32 = arith.constant 79 : i32
    %scan3A_33 = arith.addi %scan3A_31, %scan3A_32 : i32
    %scan3A_34 = arith.constant 1 : i32
    scf.for %scan3A_67 = %scan3A_31 to %scan3A_33 step %scan3A_34  : i32 {
      %mul3A_68 = arith.constant 10112 : i32
      %mul3A_69 = arith.muli %add3A, %mul3A_68 : i32
      %mul3A_70 = arith.constant 128 : i32
      %mul3A_71 = arith.muli %scan3A_67, %mul3A_70 : i32
      %add3A_72 = arith.addi %mul3A_69, %mul3A_71 : i32
      "tpu.region"() ({
        %run_scoped3A = tpu.sem_alloc : memref<!tpu.dma_semaphore, #tpu.memory_space<semaphore_mem>>
        %dma_start3A_77 = tpu.memref_slice %arg3[%add3A_72] : memref<323584xi32, #tpu.memory_space<hbm>> -> memref<128xi32, #tpu.memory_space<hbm>>
        %dma_start3A_78 = tpu.memref_slice %arg3[%add3A_72] : memref<323584xi32, #tpu.memory_space<hbm>> -> memref<128xi32, #tpu.memory_space<hbm>>
        tpu.enqueue_dma source(%dma_start3A_78 : memref<128xi32, #tpu.memory_space<hbm>>) target(%arg7 : memref<128xi32, #tpu.memory_space<vmem>>) target_semaphore(%run_scoped3A : memref<!tpu.dma_semaphore, #tpu.memory_space<semaphore_mem>>)
        %dma_wait3A_79 = tpu.memref_slice %arg3[%add3A_72] : memref<323584xi32, #tpu.memory_space<hbm>> -> memref<128xi32, #tpu.memory_space<hbm>>
        %dma_wait3A_80 = tpu.memref_slice %arg3[%add3A_72] : memref<323584xi32, #tpu.memory_space<hbm>> -> memref<128xi32, #tpu.memory_space<hbm>>
        tpu.wait_dma2 semaphore(%run_scoped3A : memref<!tpu.dma_semaphore, #tpu.memory_space<semaphore_mem>>) src(%dma_wait3A_80 : memref<128xi32, #tpu.memory_space<hbm>>) dst(%arg7 : memref<128xi32, #tpu.memory_space<vmem>>)
        tpu.yield
      }) : () -> ()
      %dma_start3A = arith.constant 0 : i32
      %dma_start3A_73 = arith.constant 0 : i32
      %dma_start3A_74 = tpu.memref_slice %arg2[%dma_start3A, %dma_start3A_73] : memref<10000x128xf32, #tpu.memory_space<hbm>> -> memref<10000x128xf32, #tpu.memory_space<hbm>>
      tpu.enqueue_indirect_dma source(%dma_start3A_74 : memref<10000x128xf32, #tpu.memory_space<hbm>>) target(%arg9 : memref<128x128xf32, #tpu.memory_space<vmem>>) offsets(%arg7 : memref<128xi32, #tpu.memory_space<vmem>>) semaphore(%arg11 : memref<!tpu.dma_semaphore, #tpu.memory_space<semaphore_mem>>)
      %dma_wait3A = arith.constant 0 : i32
      %dma_wait3A_75 = arith.constant 0 : i32
      %dma_wait3A_76 = tpu.memref_slice %arg2[%dma_wait3A, %dma_wait3A_75] : memref<10000x128xf32, #tpu.memory_space<hbm>> -> memref<10000x128xf32, #tpu.memory_space<hbm>>
      tpu.wait_indirect_dma semaphore(%arg11 : memref<!tpu.dma_semaphore, #tpu.memory_space<semaphore_mem>>) src(%dma_wait3A_76 : memref<10000x128xf32, #tpu.memory_space<hbm>>) dst(%arg9 : memref<128x128xf32, #tpu.memory_space<vmem>>)
      "tpu.region"() ({
        %run_scoped3A = tpu.sem_alloc : memref<!tpu.dma_semaphore, #tpu.memory_space<semaphore_mem>>
        %dma_start3A_77 = tpu.memref_slice %arg4[%add3A_72] : memref<323584xi32, #tpu.memory_space<hbm>> -> memref<128xi32, #tpu.memory_space<hbm>>
        %dma_start3A_78 = tpu.memref_slice %arg4[%add3A_72] : memref<323584xi32, #tpu.memory_space<hbm>> -> memref<128xi32, #tpu.memory_space<hbm>>
        tpu.enqueue_dma source(%dma_start3A_78 : memref<128xi32, #tpu.memory_space<hbm>>) target(%arg8 : memref<128xi32, #tpu.memory_space<vmem>>) target_semaphore(%run_scoped3A : memref<!tpu.dma_semaphore, #tpu.memory_space<semaphore_mem>>)
        %dma_wait3A_79 = tpu.memref_slice %arg4[%add3A_72] : memref<323584xi32, #tpu.memory_space<hbm>> -> memref<128xi32, #tpu.memory_space<hbm>>
        %dma_wait3A_80 = tpu.memref_slice %arg4[%add3A_72] : memref<323584xi32, #tpu.memory_space<hbm>> -> memref<128xi32, #tpu.memory_space<hbm>>
        tpu.wait_dma2 semaphore(%run_scoped3A : memref<!tpu.dma_semaphore, #tpu.memory_space<semaphore_mem>>) src(%dma_wait3A_80 : memref<128xi32, #tpu.memory_space<hbm>>) dst(%arg8 : memref<128xi32, #tpu.memory_space<vmem>>)
        tpu.yield
      }) : () -> ()
      "tpu.region"() ({
        %run_scoped3A = tpu.sem_alloc : memref<!tpu.dma_semaphore, #tpu.memory_space<semaphore_mem>>
        %dma_start3A_77 = arith.constant 0 : i32
        %dma_start3A_78 = arith.constant 0 : i32
        %dma_start3A_79 = tpu.memref_slice %arg10[%dma_start3A_77, %dma_start3A_78] : memref<10240x128xf32, #tpu.memory_space<vmem_shared>> -> memref<10240x128xf32, #tpu.memory_space<vmem_shared>>
        tpu.enqueue_indirect_dma source(%arg9 : memref<128x128xf32, #tpu.memory_space<vmem>>) target(%dma_start3A_79 : memref<10240x128xf32, #tpu.memory_space<vmem_shared>>) offsets(%arg8 : memref<128xi32, #tpu.memory_space<vmem>>) semaphore(%run_scoped3A : memref<!tpu.dma_semaphore, #tpu.memory_space<semaphore_mem>>) {add = true}
        %dma_wait3A_80 = arith.constant 0 : i32
        %dma_wait3A_81 = arith.constant 0 : i32
        %dma_wait3A_82 = tpu.memref_slice %arg10[%dma_wait3A_80, %dma_wait3A_81] : memref<10240x128xf32, #tpu.memory_space<vmem_shared>> -> memref<10240x128xf32, #tpu.memory_space<vmem_shared>>
        tpu.wait_indirect_dma semaphore(%run_scoped3A : memref<!tpu.dma_semaphore, #tpu.memory_space<semaphore_mem>>) src(%arg9 : memref<128x128xf32, #tpu.memory_space<vmem>>) dst(%dma_wait3A_82 : memref<10240x128xf32, #tpu.memory_space<vmem_shared>>)
        tpu.yield
      }) : () -> ()
    }
    %scan3A_35 = arith.constant 79 : i32
    %barrier3A_36 = arith.constant 0 : index
    tpu.barrier barrier_id(%barrier3A_36)
    %mul3A_37 = arith.constant 5 : i32
    %mul3A_38 = arith.muli %arg1, %mul3A_37 : i32
    %add3A_39 = arith.constant 0 : i32
    %add3A_40 = arith.addi %mul3A_38, %add3A_39 : i32
    %mul3A_41 = arith.constant 128 : i32
    %mul3A_42 = arith.muli %add3A_40, %mul3A_41 : i32
    "tpu.region"() ({
      %run_scoped3A = tpu.sem_alloc : memref<!tpu.dma_semaphore, #tpu.memory_space<semaphore_mem>>
      %dma_start3A = arith.constant 0 : i32
      %dma_start3A_67 = tpu.memref_slice %arg6[%arg0, %mul3A_42, %dma_start3A] : memref<2x10240x128xf32, #tpu.memory_space<hbm>> -> memref<1x128x128xf32, #tpu.memory_space<hbm>>
      %dma_start3A_68 = tpu.memref_squeeze %dma_start3A_67 : memref<1x128x128xf32, #tpu.memory_space<hbm>> -> memref<128x128xf32, #tpu.memory_space<hbm>>
      %dma_start3A_69 = arith.constant 0 : i32
      %dma_start3A_70 = tpu.memref_slice %arg10[%mul3A_42, %dma_start3A_69] : memref<10240x128xf32, #tpu.memory_space<vmem_shared>> -> memref<128x128xf32, #tpu.memory_space<vmem_shared>>
      tpu.enqueue_dma source(%dma_start3A_70 : memref<128x128xf32, #tpu.memory_space<vmem_shared>>) target(%dma_start3A_68 : memref<128x128xf32, #tpu.memory_space<hbm>>) target_semaphore(%run_scoped3A : memref<!tpu.dma_semaphore, #tpu.memory_space<semaphore_mem>>)
      %dma_wait3A = arith.constant 0 : i32
      %dma_wait3A_71 = tpu.memref_slice %arg6[%arg0, %mul3A_42, %dma_wait3A] : memref<2x10240x128xf32, #tpu.memory_space<hbm>> -> memref<1x128x128xf32, #tpu.memory_space<hbm>>
      %dma_wait3A_72 = tpu.memref_squeeze %dma_wait3A_71 : memref<1x128x128xf32, #tpu.memory_space<hbm>> -> memref<128x128xf32, #tpu.memory_space<hbm>>
      %dma_wait3A_73 = arith.constant 0 : i32
      %dma_wait3A_74 = tpu.memref_slice %arg10[%mul3A_42, %dma_wait3A_73] : memref<10240x128xf32, #tpu.memory_space<vmem_shared>> -> memref<128x128xf32, #tpu.memory_space<vmem_shared>>
      tpu.wait_dma2 semaphore(%run_scoped3A : memref<!tpu.dma_semaphore, #tpu.memory_space<semaphore_mem>>) src(%dma_wait3A_74 : memref<128x128xf32, #tpu.memory_space<vmem_shared>>) dst(%dma_wait3A_72 : memref<128x128xf32, #tpu.memory_space<hbm>>)
      tpu.yield
    }) : () -> ()
    %mul3A_43 = arith.constant 5 : i32
    %mul3A_44 = arith.muli %arg1, %mul3A_43 : i32
    %add3A_45 = arith.constant 1 : i32
    %add3A_46 = arith.addi %mul3A_44, %add3A_45 : i32
    %mul3A_47 = arith.constant 128 : i32
    %mul3A_48 = arith.muli %add3A_46, %mul3A_47 : i32
    "tpu.region"() ({
      %run_scoped3A = tpu.sem_alloc : memref<!tpu.dma_semaphore, #tpu.memory_space<semaphore_mem>>
      %dma_start3A = arith.constant 0 : i32
      %dma_start3A_67 = tpu.memref_slice %arg6[%arg0, %mul3A_48, %dma_start3A] : memref<2x10240x128xf32, #tpu.memory_space<hbm>> -> memref<1x128x128xf32, #tpu.memory_space<hbm>>
      %dma_start3A_68 = tpu.memref_squeeze %dma_start3A_67 : memref<1x128x128xf32, #tpu.memory_space<hbm>> -> memref<128x128xf32, #tpu.memory_space<hbm>>
      %dma_start3A_69 = arith.constant 0 : i32
      %dma_start3A_70 = tpu.memref_slice %arg10[%mul3A_48, %dma_start3A_69] : memref<10240x128xf32, #tpu.memory_space<vmem_shared>> -> memref<128x128xf32, #tpu.memory_space<vmem_shared>>
      tpu.enqueue_dma source(%dma_start3A_70 : memref<128x128xf32, #tpu.memory_space<vmem_shared>>) target(%dma_start3A_68 : memref<128x128xf32, #tpu.memory_space<hbm>>) target_semaphore(%run_scoped3A : memref<!tpu.dma_semaphore, #tpu.memory_space<semaphore_mem>>)
      %dma_wait3A = arith.constant 0 : i32
      %dma_wait3A_71 = tpu.memref_slice %arg6[%arg0, %mul3A_48, %dma_wait3A] : memref<2x10240x128xf32, #tpu.memory_space<hbm>> -> memref<1x128x128xf32, #tpu.memory_space<hbm>>
      %dma_wait3A_72 = tpu.memref_squeeze %dma_wait3A_71 : memref<1x128x128xf32, #tpu.memory_space<hbm>> -> memref<128x128xf32, #tpu.memory_space<hbm>>
      %dma_wait3A_73 = arith.constant 0 : i32
      %dma_wait3A_74 = tpu.memref_slice %arg10[%mul3A_48, %dma_wait3A_73] : memref<10240x128xf32, #tpu.memory_space<vmem_shared>> -> memref<128x128xf32, #tpu.memory_space<vmem_shared>>
      tpu.wait_dma2 semaphore(%run_scoped3A : memref<!tpu.dma_semaphore, #tpu.memory_space<semaphore_mem>>) src(%dma_wait3A_74 : memref<128x128xf32, #tpu.memory_space<vmem_shared>>) dst(%dma_wait3A_72 : memref<128x128xf32, #tpu.memory_space<hbm>>)
      tpu.yield
    }) : () -> ()
    %mul3A_49 = arith.constant 5 : i32
    %mul3A_50 = arith.muli %arg1, %mul3A_49 : i32
    %add3A_51 = arith.constant 2 : i32
    %add3A_52 = arith.addi %mul3A_50, %add3A_51 : i32
    %mul3A_53 = arith.constant 128 : i32
    %mul3A_54 = arith.muli %add3A_52, %mul3A_53 : i32
    "tpu.region"() ({
      %run_scoped3A = tpu.sem_alloc : memref<!tpu.dma_semaphore, #tpu.memory_space<semaphore_mem>>
      %dma_start3A = arith.constant 0 : i32
      %dma_start3A_67 = tpu.memref_slice %arg6[%arg0, %mul3A_54, %dma_start3A] : memref<2x10240x128xf32, #tpu.memory_space<hbm>> -> memref<1x128x128xf32, #tpu.memory_space<hbm>>
      %dma_start3A_68 = tpu.memref_squeeze %dma_start3A_67 : memref<1x128x128xf32, #tpu.memory_space<hbm>> -> memref<128x128xf32, #tpu.memory_space<hbm>>
      %dma_start3A_69 = arith.constant 0 : i32
      %dma_start3A_70 = tpu.memref_slice %arg10[%mul3A_54, %dma_start3A_69] : memref<10240x128xf32, #tpu.memory_space<vmem_shared>> -> memref<128x128xf32, #tpu.memory_space<vmem_shared>>
      tpu.enqueue_dma source(%dma_start3A_70 : memref<128x128xf32, #tpu.memory_space<vmem_shared>>) target(%dma_start3A_68 : memref<128x128xf32, #tpu.memory_space<hbm>>) target_semaphore(%run_scoped3A : memref<!tpu.dma_semaphore, #tpu.memory_space<semaphore_mem>>)
      %dma_wait3A = arith.constant 0 : i32
      %dma_wait3A_71 = tpu.memref_slice %arg6[%arg0, %mul3A_54, %dma_wait3A] : memref<2x10240x128xf32, #tpu.memory_space<hbm>> -> memref<1x128x128xf32, #tpu.memory_space<hbm>>
      %dma_wait3A_72 = tpu.memref_squeeze %dma_wait3A_71 : memref<1x128x128xf32, #tpu.memory_space<hbm>> -> memref<128x128xf32, #tpu.memory_space<hbm>>
      %dma_wait3A_73 = arith.constant 0 : i32
      %dma_wait3A_74 = tpu.memref_slice %arg10[%mul3A_54, %dma_wait3A_73] : memref<10240x128xf32, #tpu.memory_space<vmem_shared>> -> memref<128x128xf32, #tpu.memory_space<vmem_shared>>
      tpu.wait_dma2 semaphore(%run_scoped3A : memref<!tpu.dma_semaphore, #tpu.memory_space<semaphore_mem>>) src(%dma_wait3A_74 : memref<128x128xf32, #tpu.memory_space<vmem_shared>>) dst(%dma_wait3A_72 : memref<128x128xf32, #tpu.memory_space<hbm>>)
      tpu.yield
    }) : () -> ()
    %mul3A_55 = arith.constant 5 : i32
    %mul3A_56 = arith.muli %arg1, %mul3A_55 : i32
    %add3A_57 = arith.constant 3 : i32
    %add3A_58 = arith.addi %mul3A_56, %add3A_57 : i32
    %mul3A_59 = arith.constant 128 : i32
    %mul3A_60 = arith.muli %add3A_58, %mul3A_59 : i32
    "tpu.region"() ({
      %run_scoped3A = tpu.sem_alloc : memref<!tpu.dma_semaphore, #tpu.memory_space<semaphore_mem>>
      %dma_start3A = arith.constant 0 : i32
      %dma_start3A_67 = tpu.memref_slice %arg6[%arg0, %mul3A_60, %dma_start3A] : memref<2x10240x128xf32, #tpu.memory_space<hbm>> -> memref<1x128x128xf32, #tpu.memory_space<hbm>>
      %dma_start3A_68 = tpu.memref_squeeze %dma_start3A_67 : memref<1x128x128xf32, #tpu.memory_space<hbm>> -> memref<128x128xf32, #tpu.memory_space<hbm>>
      %dma_start3A_69 = arith.constant 0 : i32
      %dma_start3A_70 = tpu.memref_slice %arg10[%mul3A_60, %dma_start3A_69] : memref<10240x128xf32, #tpu.memory_space<vmem_shared>> -> memref<128x128xf32, #tpu.memory_space<vmem_shared>>
      tpu.enqueue_dma source(%dma_start3A_70 : memref<128x128xf32, #tpu.memory_space<vmem_shared>>) target(%dma_start3A_68 : memref<128x128xf32, #tpu.memory_space<hbm>>) target_semaphore(%run_scoped3A : memref<!tpu.dma_semaphore, #tpu.memory_space<semaphore_mem>>)
      %dma_wait3A = arith.constant 0 : i32
      %dma_wait3A_71 = tpu.memref_slice %arg6[%arg0, %mul3A_60, %dma_wait3A] : memref<2x10240x128xf32, #tpu.memory_space<hbm>> -> memref<1x128x128xf32, #tpu.memory_space<hbm>>
      %dma_wait3A_72 = tpu.memref_squeeze %dma_wait3A_71 : memref<1x128x128xf32, #tpu.memory_space<hbm>> -> memref<128x128xf32, #tpu.memory_space<hbm>>
      %dma_wait3A_73 = arith.constant 0 : i32
      %dma_wait3A_74 = tpu.memref_slice %arg10[%mul3A_60, %dma_wait3A_73] : memref<10240x128xf32, #tpu.memory_space<vmem_shared>> -> memref<128x128xf32, #tpu.memory_space<vmem_shared>>
      tpu.wait_dma2 semaphore(%run_scoped3A : memref<!tpu.dma_semaphore, #tpu.memory_space<semaphore_mem>>) src(%dma_wait3A_74 : memref<128x128xf32, #tpu.memory_space<vmem_shared>>) dst(%dma_wait3A_72 : memref<128x128xf32, #tpu.memory_space<hbm>>)
      tpu.yield
    }) : () -> ()
    %mul3A_61 = arith.constant 5 : i32
    %mul3A_62 = arith.muli %arg1, %mul3A_61 : i32
    %add3A_63 = arith.constant 4 : i32
    %add3A_64 = arith.addi %mul3A_62, %add3A_63 : i32
    %mul3A_65 = arith.constant 128 : i32
    %mul3A_66 = arith.muli %add3A_64, %mul3A_65 : i32
    "tpu.region"() ({
      %run_scoped3A = tpu.sem_alloc : memref<!tpu.dma_semaphore, #tpu.memory_space<semaphore_mem>>
      %dma_start3A = arith.constant 0 : i32
      %dma_start3A_67 = tpu.memref_slice %arg6[%arg0, %mul3A_66, %dma_start3A] : memref<2x10240x128xf32, #tpu.memory_space<hbm>> -> memref<1x128x128xf32, #tpu.memory_space<hbm>>
      %dma_start3A_68 = tpu.memref_squeeze %dma_start3A_67 : memref<1x128x128xf32, #tpu.memory_space<hbm>> -> memref<128x128xf32, #tpu.memory_space<hbm>>
      %dma_start3A_69 = arith.constant 0 : i32
      %dma_start3A_70 = tpu.memref_slice %arg10[%mul3A_66, %dma_start3A_69] : memref<10240x128xf32, #tpu.memory_space<vmem_shared>> -> memref<128x128xf32, #tpu.memory_space<vmem_shared>>
      tpu.enqueue_dma source(%dma_start3A_70 : memref<128x128xf32, #tpu.memory_space<vmem_shared>>) target(%dma_start3A_68 : memref<128x128xf32, #tpu.memory_space<hbm>>) target_semaphore(%run_scoped3A : memref<!tpu.dma_semaphore, #tpu.memory_space<semaphore_mem>>)
      %dma_wait3A = arith.constant 0 : i32
      %dma_wait3A_71 = tpu.memref_slice %arg6[%arg0, %mul3A_66, %dma_wait3A] : memref<2x10240x128xf32, #tpu.memory_space<hbm>> -> memref<1x128x128xf32, #tpu.memory_space<hbm>>
      %dma_wait3A_72 = tpu.memref_squeeze %dma_wait3A_71 : memref<1x128x128xf32, #tpu.memory_space<hbm>> -> memref<128x128xf32, #tpu.memory_space<hbm>>
      %dma_wait3A_73 = arith.constant 0 : i32
      %dma_wait3A_74 = tpu.memref_slice %arg10[%mul3A_66, %dma_wait3A_73] : memref<10240x128xf32, #tpu.memory_space<vmem_shared>> -> memref<128x128xf32, #tpu.memory_space<vmem_shared>>
      tpu.wait_dma2 semaphore(%run_scoped3A : memref<!tpu.dma_semaphore, #tpu.memory_space<semaphore_mem>>) src(%dma_wait3A_74 : memref<128x128xf32, #tpu.memory_space<vmem_shared>>) dst(%dma_wait3A_72 : memref<128x128xf32, #tpu.memory_space<hbm>>)
      tpu.yield
    }) : () -> ()
    return
  }
}

#map = affine_map<(d0, d1) -> (0, 0)>
#map1 = affine_map<(d0, d1) -> (0)>
#map2 = affine_map<(d0, d1) -> (0, 0, 0)>
module attributes {stable_mosaic.version = 14 : i64} {
  func.func @_scatter_body(%arg0: i32, %arg1: i32, %arg2: memref<10000x128xf32, #tpu.memory_space<hbm>>, %arg3: memref<323584xi32, #tpu.memory_space<hbm>>, %arg4: memref<323584xi32, #tpu.memory_space<hbm>>, %arg5: memref<128x128xf32, #tpu.memory_space<hbm>>, %arg6: memref<2x10240x128xf32, #tpu.memory_space<hbm>>, %arg7: memref<128xi32, #tpu.memory_space<vmem>>, %arg8: memref<128xi32, #tpu.memory_space<vmem>>, %arg9: memref<128x128xf32, #tpu.memory_space<vmem>>, %arg10: memref<10240x128xf32, #tpu.memory_space<vmem_shared>>, %arg11: memref<!tpu.dma_semaphore, #tpu.memory_space<semaphore_mem>>) attributes {dimension_semantics = [#tpu.dimension_semantics<core_parallel>, #tpu.dimension_semantics<subcore_parallel>], iteration_bounds = array<i64: 2, 16>, scalar_prefetch = 0 : i64, scratch_operands = 5 : i64, tpu.core_type = #tpu.core_type<sc_vector_subcore>, window_params = [{transform_indices = #map}, {transform_indices = #map1}, {transform_indices = #map1}, {transform_indices = #map}, {transform_indices = #map2}]} {
    %mul3A = arith.constant 2 : i32
    %mul3A_0 = arith.muli %arg1, %mul3A : i32
    %add3A = arith.addi %mul3A_0, %arg0 : i32
    %mul3A_1 = arith.constant 5 : i32
    %mul3A_2 = arith.muli %arg1, %mul3A_1 : i32
    %add3A_3 = arith.constant 0 : i32
    %add3A_4 = arith.addi %mul3A_2, %add3A_3 : i32
    %mul3A_5 = arith.constant 128 : i32
    %mul3A_6 = arith.muli %add3A_4, %mul3A_5 : i32
    "tpu.region"() ({
      %run_scoped3A = tpu.sem_alloc : memref<!tpu.dma_semaphore, #tpu.memory_space<semaphore_mem>>
      %dma_start3A = arith.constant 0 : i32
      %dma_start3A_67 = tpu.memref_slice %arg10[%mul3A_6, %dma_start3A] : memref<10240x128xf32, #tpu.memory_space<vmem_shared>> -> memref<128x128xf32, #tpu.memory_space<vmem_shared>>
      tpu.enqueue_dma source(%arg5 : memref<128x128xf32, #tpu.memory_space<hbm>>) target(%dma_start3A_67 : memref<128x128xf32, #tpu.memory_space<vmem_shared>>) target_semaphore(%run_scoped3A : memref<!tpu.dma_semaphore, #tpu.memory_space<semaphore_mem>>)
      %dma_wait3A = arith.constant 0 : i32
      %dma_wait3A_68 = tpu.memref_slice %arg10[%mul3A_6, %dma_wait3A] : memref<10240x128xf32, #tpu.memory_space<vmem_shared>> -> memref<128x128xf32, #tpu.memory_space<vmem_shared>>
      tpu.wait_dma2 semaphore(%run_scoped3A : memref<!tpu.dma_semaphore, #tpu.memory_space<semaphore_mem>>) src(%arg5 : memref<128x128xf32, #tpu.memory_space<hbm>>) dst(%dma_wait3A_68 : memref<128x128xf32, #tpu.memory_space<vmem_shared>>)
      tpu.yield
    }) : () -> ()
    %mul3A_7 = arith.constant 5 : i32
    %mul3A_8 = arith.muli %arg1, %mul3A_7 : i32
    %add3A_9 = arith.constant 1 : i32
    %add3A_10 = arith.addi %mul3A_8, %add3A_9 : i32
    %mul3A_11 = arith.constant 128 : i32
    %mul3A_12 = arith.muli %add3A_10, %mul3A_11 : i32
    "tpu.region"() ({
      %run_scoped3A = tpu.sem_alloc : memref<!tpu.dma_semaphore, #tpu.memory_space<semaphore_mem>>
      %dma_start3A = arith.constant 0 : i32
      %dma_start3A_67 = tpu.memref_slice %arg10[%mul3A_12, %dma_start3A] : memref<10240x128xf32, #tpu.memory_space<vmem_shared>> -> memref<128x128xf32, #tpu.memory_space<vmem_shared>>
      tpu.enqueue_dma source(%arg5 : memref<128x128xf32, #tpu.memory_space<hbm>>) target(%dma_start3A_67 : memref<128x128xf32, #tpu.memory_space<vmem_shared>>) target_semaphore(%run_scoped3A : memref<!tpu.dma_semaphore, #tpu.memory_space<semaphore_mem>>)
      %dma_wait3A = arith.constant 0 : i32
      %dma_wait3A_68 = tpu.memref_slice %arg10[%mul3A_12, %dma_wait3A] : memref<10240x128xf32, #tpu.memory_space<vmem_shared>> -> memref<128x128xf32, #tpu.memory_space<vmem_shared>>
      tpu.wait_dma2 semaphore(%run_scoped3A : memref<!tpu.dma_semaphore, #tpu.memory_space<semaphore_mem>>) src(%arg5 : memref<128x128xf32, #tpu.memory_space<hbm>>) dst(%dma_wait3A_68 : memref<128x128xf32, #tpu.memory_space<vmem_shared>>)
      tpu.yield
    }) : () -> ()
    %mul3A_13 = arith.constant 5 : i32
    %mul3A_14 = arith.muli %arg1, %mul3A_13 : i32
    %add3A_15 = arith.constant 2 : i32
    %add3A_16 = arith.addi %mul3A_14, %add3A_15 : i32
    %mul3A_17 = arith.constant 128 : i32
    %mul3A_18 = arith.muli %add3A_16, %mul3A_17 : i32
    "tpu.region"() ({
      %run_scoped3A = tpu.sem_alloc : memref<!tpu.dma_semaphore, #tpu.memory_space<semaphore_mem>>
      %dma_start3A = arith.constant 0 : i32
      %dma_start3A_67 = tpu.memref_slice %arg10[%mul3A_18, %dma_start3A] : memref<10240x128xf32, #tpu.memory_space<vmem_shared>> -> memref<128x128xf32, #tpu.memory_space<vmem_shared>>
      tpu.enqueue_dma source(%arg5 : memref<128x128xf32, #tpu.memory_space<hbm>>) target(%dma_start3A_67 : memref<128x128xf32, #tpu.memory_space<vmem_shared>>) target_semaphore(%run_scoped3A : memref<!tpu.dma_semaphore, #tpu.memory_space<semaphore_mem>>)
      %dma_wait3A = arith.constant 0 : i32
      %dma_wait3A_68 = tpu.memref_slice %arg10[%mul3A_18, %dma_wait3A] : memref<10240x128xf32, #tpu.memory_space<vmem_shared>> -> memref<128x128xf32, #tpu.memory_space<vmem_shared>>
      tpu.wait_dma2 semaphore(%run_scoped3A : memref<!tpu.dma_semaphore, #tpu.memory_space<semaphore_mem>>) src(%arg5 : memref<128x128xf32, #tpu.memory_space<hbm>>) dst(%dma_wait3A_68 : memref<128x128xf32, #tpu.memory_space<vmem_shared>>)
      tpu.yield
    }) : () -> ()
    %mul3A_19 = arith.constant 5 : i32
    %mul3A_20 = arith.muli %arg1, %mul3A_19 : i32
    %add3A_21 = arith.constant 3 : i32
    %add3A_22 = arith.addi %mul3A_20, %add3A_21 : i32
    %mul3A_23 = arith.constant 128 : i32
    %mul3A_24 = arith.muli %add3A_22, %mul3A_23 : i32
    "tpu.region"() ({
      %run_scoped3A = tpu.sem_alloc : memref<!tpu.dma_semaphore, #tpu.memory_space<semaphore_mem>>
      %dma_start3A = arith.constant 0 : i32
      %dma_start3A_67 = tpu.memref_slice %arg10[%mul3A_24, %dma_start3A] : memref<10240x128xf32, #tpu.memory_space<vmem_shared>> -> memref<128x128xf32, #tpu.memory_space<vmem_shared>>
      tpu.enqueue_dma source(%arg5 : memref<128x128xf32, #tpu.memory_space<hbm>>) target(%dma_start3A_67 : memref<128x128xf32, #tpu.memory_space<vmem_shared>>) target_semaphore(%run_scoped3A : memref<!tpu.dma_semaphore, #tpu.memory_space<semaphore_mem>>)
      %dma_wait3A = arith.constant 0 : i32
      %dma_wait3A_68 = tpu.memref_slice %arg10[%mul3A_24, %dma_wait3A] : memref<10240x128xf32, #tpu.memory_space<vmem_shared>> -> memref<128x128xf32, #tpu.memory_space<vmem_shared>>
      tpu.wait_dma2 semaphore(%run_scoped3A : memref<!tpu.dma_semaphore, #tpu.memory_space<semaphore_mem>>) src(%arg5 : memref<128x128xf32, #tpu.memory_space<hbm>>) dst(%dma_wait3A_68 : memref<128x128xf32, #tpu.memory_space<vmem_shared>>)
      tpu.yield
    }) : () -> ()
    %mul3A_25 = arith.constant 5 : i32
    %mul3A_26 = arith.muli %arg1, %mul3A_25 : i32
    %add3A_27 = arith.constant 4 : i32
    %add3A_28 = arith.addi %mul3A_26, %add3A_27 : i32
    %mul3A_29 = arith.constant 128 : i32
    %mul3A_30 = arith.muli %add3A_28, %mul3A_29 : i32
    "tpu.region"() ({
      %run_scoped3A = tpu.sem_alloc : memref<!tpu.dma_semaphore, #tpu.memory_space<semaphore_mem>>
      %dma_start3A = arith.constant 0 : i32
      %dma_start3A_67 = tpu.memref_slice %arg10[%mul3A_30, %dma_start3A] : memref<10240x128xf32, #tpu.memory_space<vmem_shared>> -> memref<128x128xf32, #tpu.memory_space<vmem_shared>>
      tpu.enqueue_dma source(%arg5 : memref<128x128xf32, #tpu.memory_space<hbm>>) target(%dma_start3A_67 : memref<128x128xf32, #tpu.memory_space<vmem_shared>>) target_semaphore(%run_scoped3A : memref<!tpu.dma_semaphore, #tpu.memory_space<semaphore_mem>>)
      %dma_wait3A = arith.constant 0 : i32
      %dma_wait3A_68 = tpu.memref_slice %arg10[%mul3A_30, %dma_wait3A] : memref<10240x128xf32, #tpu.memory_space<vmem_shared>> -> memref<128x128xf32, #tpu.memory_space<vmem_shared>>
      tpu.wait_dma2 semaphore(%run_scoped3A : memref<!tpu.dma_semaphore, #tpu.memory_space<semaphore_mem>>) src(%arg5 : memref<128x128xf32, #tpu.memory_space<hbm>>) dst(%dma_wait3A_68 : memref<128x128xf32, #tpu.memory_space<vmem_shared>>)
      tpu.yield
    }) : () -> ()
    %barrier3A = arith.constant 0 : index
    tpu.barrier barrier_id(%barrier3A)
    %scan3A = arith.constant 0 : i32
    %scan3A_31 = arith.constant 0 : i32
    %scan3A_32 = arith.constant 79 : i32
    %scan3A_33 = arith.addi %scan3A_31, %scan3A_32 : i32
    %scan3A_34 = arith.constant 1 : i32
    scf.for %scan3A_67 = %scan3A_31 to %scan3A_33 step %scan3A_34  : i32 {
      %mul3A_68 = arith.constant 10112 : i32
      %mul3A_69 = arith.muli %add3A, %mul3A_68 : i32
      %mul3A_70 = arith.constant 128 : i32
      %mul3A_71 = arith.muli %scan3A_67, %mul3A_70 : i32
      %add3A_72 = arith.addi %mul3A_69, %mul3A_71 : i32
      "tpu.region"() ({
        %run_scoped3A = tpu.sem_alloc : memref<!tpu.dma_semaphore, #tpu.memory_space<semaphore_mem>>
        %dma_start3A_77 = tpu.memref_slice %arg3[%add3A_72] : memref<323584xi32, #tpu.memory_space<hbm>> -> memref<128xi32, #tpu.memory_space<hbm>>
        %dma_start3A_78 = tpu.memref_slice %arg3[%add3A_72] : memref<323584xi32, #tpu.memory_space<hbm>> -> memref<128xi32, #tpu.memory_space<hbm>>
        tpu.enqueue_dma source(%dma_start3A_78 : memref<128xi32, #tpu.memory_space<hbm>>) target(%arg7 : memref<128xi32, #tpu.memory_space<vmem>>) target_semaphore(%run_scoped3A : memref<!tpu.dma_semaphore, #tpu.memory_space<semaphore_mem>>)
        %dma_wait3A_79 = tpu.memref_slice %arg3[%add3A_72] : memref<323584xi32, #tpu.memory_space<hbm>> -> memref<128xi32, #tpu.memory_space<hbm>>
        %dma_wait3A_80 = tpu.memref_slice %arg3[%add3A_72] : memref<323584xi32, #tpu.memory_space<hbm>> -> memref<128xi32, #tpu.memory_space<hbm>>
        tpu.wait_dma2 semaphore(%run_scoped3A : memref<!tpu.dma_semaphore, #tpu.memory_space<semaphore_mem>>) src(%dma_wait3A_80 : memref<128xi32, #tpu.memory_space<hbm>>) dst(%arg7 : memref<128xi32, #tpu.memory_space<vmem>>)
        tpu.yield
      }) : () -> ()
      %dma_start3A = arith.constant 0 : i32
      %dma_start3A_73 = arith.constant 0 : i32
      %dma_start3A_74 = tpu.memref_slice %arg2[%dma_start3A, %dma_start3A_73] : memref<10000x128xf32, #tpu.memory_space<hbm>> -> memref<10000x128xf32, #tpu.memory_space<hbm>>
      tpu.enqueue_indirect_dma source(%dma_start3A_74 : memref<10000x128xf32, #tpu.memory_space<hbm>>) target(%arg9 : memref<128x128xf32, #tpu.memory_space<vmem>>) offsets(%arg7 : memref<128xi32, #tpu.memory_space<vmem>>) semaphore(%arg11 : memref<!tpu.dma_semaphore, #tpu.memory_space<semaphore_mem>>)
      %dma_wait3A = arith.constant 0 : i32
      %dma_wait3A_75 = arith.constant 0 : i32
      %dma_wait3A_76 = tpu.memref_slice %arg2[%dma_wait3A, %dma_wait3A_75] : memref<10000x128xf32, #tpu.memory_space<hbm>> -> memref<10000x128xf32, #tpu.memory_space<hbm>>
      tpu.wait_indirect_dma semaphore(%arg11 : memref<!tpu.dma_semaphore, #tpu.memory_space<semaphore_mem>>) src(%dma_wait3A_76 : memref<10000x128xf32, #tpu.memory_space<hbm>>) dst(%arg9 : memref<128x128xf32, #tpu.memory_space<vmem>>)
      "tpu.region"() ({
        %run_scoped3A = tpu.sem_alloc : memref<!tpu.dma_semaphore, #tpu.memory_space<semaphore_mem>>
        %dma_start3A_77 = tpu.memref_slice %arg4[%add3A_72] : memref<323584xi32, #tpu.memory_space<hbm>> -> memref<128xi32, #tpu.memory_space<hbm>>
        %dma_start3A_78 = tpu.memref_slice %arg4[%add3A_72] : memref<323584xi32, #tpu.memory_space<hbm>> -> memref<128xi32, #tpu.memory_space<hbm>>
        tpu.enqueue_dma source(%dma_start3A_78 : memref<128xi32, #tpu.memory_space<hbm>>) target(%arg8 : memref<128xi32, #tpu.memory_space<vmem>>) target_semaphore(%run_scoped3A : memref<!tpu.dma_semaphore, #tpu.memory_space<semaphore_mem>>)
        %dma_wait3A_79 = tpu.memref_slice %arg4[%add3A_72] : memref<323584xi32, #tpu.memory_space<hbm>> -> memref<128xi32, #tpu.memory_space<hbm>>
        %dma_wait3A_80 = tpu.memref_slice %arg4[%add3A_72] : memref<323584xi32, #tpu.memory_space<hbm>> -> memref<128xi32, #tpu.memory_space<hbm>>
        tpu.wait_dma2 semaphore(%run_scoped3A : memref<!tpu.dma_semaphore, #tpu.memory_space<semaphore_mem>>) src(%dma_wait3A_80 : memref<128xi32, #tpu.memory_space<hbm>>) dst(%arg8 : memref<128xi32, #tpu.memory_space<vmem>>)
        tpu.yield
      }) : () -> ()
      "tpu.region"() ({
        %run_scoped3A = tpu.sem_alloc : memref<!tpu.dma_semaphore, #tpu.memory_space<semaphore_mem>>
        %dma_start3A_77 = arith.constant 0 : i32
        %dma_start3A_78 = arith.constant 0 : i32
        %dma_start3A_79 = tpu.memref_slice %arg10[%dma_start3A_77, %dma_start3A_78] : memref<10240x128xf32, #tpu.memory_space<vmem_shared>> -> memref<10240x128xf32, #tpu.memory_space<vmem_shared>>
        tpu.enqueue_indirect_dma source(%arg9 : memref<128x128xf32, #tpu.memory_space<vmem>>) target(%dma_start3A_79 : memref<10240x128xf32, #tpu.memory_space<vmem_shared>>) offsets(%arg8 : memref<128xi32, #tpu.memory_space<vmem>>) semaphore(%run_scoped3A : memref<!tpu.dma_semaphore, #tpu.memory_space<semaphore_mem>>) {add = true}
        %dma_wait3A_80 = arith.constant 0 : i32
        %dma_wait3A_81 = arith.constant 0 : i32
        %dma_wait3A_82 = tpu.memref_slice %arg10[%dma_wait3A_80, %dma_wait3A_81] : memref<10240x128xf32, #tpu.memory_space<vmem_shared>> -> memref<10240x128xf32, #tpu.memory_space<vmem_shared>>
        tpu.wait_indirect_dma semaphore(%run_scoped3A : memref<!tpu.dma_semaphore, #tpu.memory_space<semaphore_mem>>) src(%arg9 : memref<128x128xf32, #tpu.memory_space<vmem>>) dst(%dma_wait3A_82 : memref<10240x128xf32, #tpu.memory_space<vmem_shared>>)
        tpu.yield
      }) : () -> ()
    }
    %scan3A_35 = arith.constant 79 : i32
    %barrier3A_36 = arith.constant 0 : index
    tpu.barrier barrier_id(%barrier3A_36)
    %mul3A_37 = arith.constant 5 : i32
    %mul3A_38 = arith.muli %arg1, %mul3A_37 : i32
    %add3A_39 = arith.constant 0 : i32
    %add3A_40 = arith.addi %mul3A_38, %add3A_39 : i32
    %mul3A_41 = arith.constant 128 : i32
    %mul3A_42 = arith.muli %add3A_40, %mul3A_41 : i32
    "tpu.region"() ({
      %run_scoped3A = tpu.sem_alloc : memref<!tpu.dma_semaphore, #tpu.memory_space<semaphore_mem>>
      %dma_start3A = arith.constant 0 : i32
      %dma_start3A_67 = tpu.memref_slice %arg6[%arg0, %mul3A_42, %dma_start3A] : memref<2x10240x128xf32, #tpu.memory_space<hbm>> -> memref<1x128x128xf32, #tpu.memory_space<hbm>>
      %dma_start3A_68 = tpu.memref_squeeze %dma_start3A_67 : memref<1x128x128xf32, #tpu.memory_space<hbm>> -> memref<128x128xf32, #tpu.memory_space<hbm>>
      %dma_start3A_69 = arith.constant 0 : i32
      %dma_start3A_70 = tpu.memref_slice %arg10[%mul3A_42, %dma_start3A_69] : memref<10240x128xf32, #tpu.memory_space<vmem_shared>> -> memref<128x128xf32, #tpu.memory_space<vmem_shared>>
      tpu.enqueue_dma source(%dma_start3A_70 : memref<128x128xf32, #tpu.memory_space<vmem_shared>>) target(%dma_start3A_68 : memref<128x128xf32, #tpu.memory_space<hbm>>) target_semaphore(%run_scoped3A : memref<!tpu.dma_semaphore, #tpu.memory_space<semaphore_mem>>)
      %dma_wait3A = arith.constant 0 : i32
      %dma_wait3A_71 = tpu.memref_slice %arg6[%arg0, %mul3A_42, %dma_wait3A] : memref<2x10240x128xf32, #tpu.memory_space<hbm>> -> memref<1x128x128xf32, #tpu.memory_space<hbm>>
      %dma_wait3A_72 = tpu.memref_squeeze %dma_wait3A_71 : memref<1x128x128xf32, #tpu.memory_space<hbm>> -> memref<128x128xf32, #tpu.memory_space<hbm>>
      %dma_wait3A_73 = arith.constant 0 : i32
      %dma_wait3A_74 = tpu.memref_slice %arg10[%mul3A_42, %dma_wait3A_73] : memref<10240x128xf32, #tpu.memory_space<vmem_shared>> -> memref<128x128xf32, #tpu.memory_space<vmem_shared>>
      tpu.wait_dma2 semaphore(%run_scoped3A : memref<!tpu.dma_semaphore, #tpu.memory_space<semaphore_mem>>) src(%dma_wait3A_74 : memref<128x128xf32, #tpu.memory_space<vmem_shared>>) dst(%dma_wait3A_72 : memref<128x128xf32, #tpu.memory_space<hbm>>)
      tpu.yield
    }) : () -> ()
    %mul3A_43 = arith.constant 5 : i32
    %mul3A_44 = arith.muli %arg1, %mul3A_43 : i32
    %add3A_45 = arith.constant 1 : i32
    %add3A_46 = arith.addi %mul3A_44, %add3A_45 : i32
    %mul3A_47 = arith.constant 128 : i32
    %mul3A_48 = arith.muli %add3A_46, %mul3A_47 : i32
    "tpu.region"() ({
      %run_scoped3A = tpu.sem_alloc : memref<!tpu.dma_semaphore, #tpu.memory_space<semaphore_mem>>
      %dma_start3A = arith.constant 0 : i32
      %dma_start3A_67 = tpu.memref_slice %arg6[%arg0, %mul3A_48, %dma_start3A] : memref<2x10240x128xf32, #tpu.memory_space<hbm>> -> memref<1x128x128xf32, #tpu.memory_space<hbm>>
      %dma_start3A_68 = tpu.memref_squeeze %dma_start3A_67 : memref<1x128x128xf32, #tpu.memory_space<hbm>> -> memref<128x128xf32, #tpu.memory_space<hbm>>
      %dma_start3A_69 = arith.constant 0 : i32
      %dma_start3A_70 = tpu.memref_slice %arg10[%mul3A_48, %dma_start3A_69] : memref<10240x128xf32, #tpu.memory_space<vmem_shared>> -> memref<128x128xf32, #tpu.memory_space<vmem_shared>>
      tpu.enqueue_dma source(%dma_start3A_70 : memref<128x128xf32, #tpu.memory_space<vmem_shared>>) target(%dma_start3A_68 : memref<128x128xf32, #tpu.memory_space<hbm>>) target_semaphore(%run_scoped3A : memref<!tpu.dma_semaphore, #tpu.memory_space<semaphore_mem>>)
      %dma_wait3A = arith.constant 0 : i32
      %dma_wait3A_71 = tpu.memref_slice %arg6[%arg0, %mul3A_48, %dma_wait3A] : memref<2x10240x128xf32, #tpu.memory_space<hbm>> -> memref<1x128x128xf32, #tpu.memory_space<hbm>>
      %dma_wait3A_72 = tpu.memref_squeeze %dma_wait3A_71 : memref<1x128x128xf32, #tpu.memory_space<hbm>> -> memref<128x128xf32, #tpu.memory_space<hbm>>
      %dma_wait3A_73 = arith.constant 0 : i32
      %dma_wait3A_74 = tpu.memref_slice %arg10[%mul3A_48, %dma_wait3A_73] : memref<10240x128xf32, #tpu.memory_space<vmem_shared>> -> memref<128x128xf32, #tpu.memory_space<vmem_shared>>
      tpu.wait_dma2 semaphore(%run_scoped3A : memref<!tpu.dma_semaphore, #tpu.memory_space<semaphore_mem>>) src(%dma_wait3A_74 : memref<128x128xf32, #tpu.memory_space<vmem_shared>>) dst(%dma_wait3A_72 : memref<128x128xf32, #tpu.memory_space<hbm>>)
      tpu.yield
    }) : () -> ()
    %mul3A_49 = arith.constant 5 : i32
    %mul3A_50 = arith.muli %arg1, %mul3A_49 : i32
    %add3A_51 = arith.constant 2 : i32
    %add3A_52 = arith.addi %mul3A_50, %add3A_51 : i32
    %mul3A_53 = arith.constant 128 : i32
    %mul3A_54 = arith.muli %add3A_52, %mul3A_53 : i32
    "tpu.region"() ({
      %run_scoped3A = tpu.sem_alloc : memref<!tpu.dma_semaphore, #tpu.memory_space<semaphore_mem>>
      %dma_start3A = arith.constant 0 : i32
      %dma_start3A_67 = tpu.memref_slice %arg6[%arg0, %mul3A_54, %dma_start3A] : memref<2x10240x128xf32, #tpu.memory_space<hbm>> -> memref<1x128x128xf32, #tpu.memory_space<hbm>>
      %dma_start3A_68 = tpu.memref_squeeze %dma_start3A_67 : memref<1x128x128xf32, #tpu.memory_space<hbm>> -> memref<128x128xf32, #tpu.memory_space<hbm>>
      %dma_start3A_69 = arith.constant 0 : i32
      %dma_start3A_70 = tpu.memref_slice %arg10[%mul3A_54, %dma_start3A_69] : memref<10240x128xf32, #tpu.memory_space<vmem_shared>> -> memref<128x128xf32, #tpu.memory_space<vmem_shared>>
      tpu.enqueue_dma source(%dma_start3A_70 : memref<128x128xf32, #tpu.memory_space<vmem_shared>>) target(%dma_start3A_68 : memref<128x128xf32, #tpu.memory_space<hbm>>) target_semaphore(%run_scoped3A : memref<!tpu.dma_semaphore, #tpu.memory_space<semaphore_mem>>)
      %dma_wait3A = arith.constant 0 : i32
      %dma_wait3A_71 = tpu.memref_slice %arg6[%arg0, %mul3A_54, %dma_wait3A] : memref<2x10240x128xf32, #tpu.memory_space<hbm>> -> memref<1x128x128xf32, #tpu.memory_space<hbm>>
      %dma_wait3A_72 = tpu.memref_squeeze %dma_wait3A_71 : memref<1x128x128xf32, #tpu.memory_space<hbm>> -> memref<128x128xf32, #tpu.memory_space<hbm>>
      %dma_wait3A_73 = arith.constant 0 : i32
      %dma_wait3A_74 = tpu.memref_slice %arg10[%mul3A_54, %dma_wait3A_73] : memref<10240x128xf32, #tpu.memory_space<vmem_shared>> -> memref<128x128xf32, #tpu.memory_space<vmem_shared>>
      tpu.wait_dma2 semaphore(%run_scoped3A : memref<!tpu.dma_semaphore, #tpu.memory_space<semaphore_mem>>) src(%dma_wait3A_74 : memref<128x128xf32, #tpu.memory_space<vmem_shared>>) dst(%dma_wait3A_72 : memref<128x128xf32, #tpu.memory_space<hbm>>)
      tpu.yield
    }) : () -> ()
    %mul3A_55 = arith.constant 5 : i32
    %mul3A_56 = arith.muli %arg1, %mul3A_55 : i32
    %add3A_57 = arith.constant 3 : i32
    %add3A_58 = arith.addi %mul3A_56, %add3A_57 : i32
    %mul3A_59 = arith.constant 128 : i32
    %mul3A_60 = arith.muli %add3A_58, %mul3A_59 : i32
    "tpu.region"() ({
      %run_scoped3A = tpu.sem_alloc : memref<!tpu.dma_semaphore, #tpu.memory_space<semaphore_mem>>
      %dma_start3A = arith.constant 0 : i32
      %dma_start3A_67 = tpu.memref_slice %arg6[%arg0, %mul3A_60, %dma_start3A] : memref<2x10240x128xf32, #tpu.memory_space<hbm>> -> memref<1x128x128xf32, #tpu.memory_space<hbm>>
      %dma_start3A_68 = tpu.memref_squeeze %dma_start3A_67 : memref<1x128x128xf32, #tpu.memory_space<hbm>> -> memref<128x128xf32, #tpu.memory_space<hbm>>
      %dma_start3A_69 = arith.constant 0 : i32
      %dma_start3A_70 = tpu.memref_slice %arg10[%mul3A_60, %dma_start3A_69] : memref<10240x128xf32, #tpu.memory_space<vmem_shared>> -> memref<128x128xf32, #tpu.memory_space<vmem_shared>>
      tpu.enqueue_dma source(%dma_start3A_70 : memref<128x128xf32, #tpu.memory_space<vmem_shared>>) target(%dma_start3A_68 : memref<128x128xf32, #tpu.memory_space<hbm>>) target_semaphore(%run_scoped3A : memref<!tpu.dma_semaphore, #tpu.memory_space<semaphore_mem>>)
      %dma_wait3A = arith.constant 0 : i32
      %dma_wait3A_71 = tpu.memref_slice %arg6[%arg0, %mul3A_60, %dma_wait3A] : memref<2x10240x128xf32, #tpu.memory_space<hbm>> -> memref<1x128x128xf32, #tpu.memory_space<hbm>>
      %dma_wait3A_72 = tpu.memref_squeeze %dma_wait3A_71 : memref<1x128x128xf32, #tpu.memory_space<hbm>> -> memref<128x128xf32, #tpu.memory_space<hbm>>
      %dma_wait3A_73 = arith.constant 0 : i32
      %dma_wait3A_74 = tpu.memref_slice %arg10[%mul3A_60, %dma_wait3A_73] : memref<10240x128xf32, #tpu.memory_space<vmem_shared>> -> memref<128x128xf32, #tpu.memory_space<vmem_shared>>
      tpu.wait_dma2 semaphore(%run_scoped3A : memref<!tpu.dma_semaphore, #tpu.memory_space<semaphore_mem>>) src(%dma_wait3A_74 : memref<128x128xf32, #tpu.memory_space<vmem_shared>>) dst(%dma_wait3A_72 : memref<128x128xf32, #tpu.memory_space<hbm>>)
      tpu.yield
    }) : () -> ()
    %mul3A_61 = arith.constant 5 : i32
    %mul3A_62 = arith.muli %arg1, %mul3A_61 : i32
    %add3A_63 = arith.constant 4 : i32
    %add3A_64 = arith.addi %mul3A_62, %add3A_63 : i32
    %mul3A_65 = arith.constant 128 : i32
    %mul3A_66 = arith.muli %add3A_64, %mul3A_65 : i32
    "tpu.region"() ({
      %run_scoped3A = tpu.sem_alloc : memref<!tpu.dma_semaphore, #tpu.memory_space<semaphore_mem>>
      %dma_start3A = arith.constant 0 : i32
      %dma_start3A_67 = tpu.memref_slice %arg6[%arg0, %mul3A_66, %dma_start3A] : memref<2x10240x128xf32, #tpu.memory_space<hbm>> -> memref<1x128x128xf32, #tpu.memory_space<hbm>>
      %dma_start3A_68 = tpu.memref_squeeze %dma_start3A_67 : memref<1x128x128xf32, #tpu.memory_space<hbm>> -> memref<128x128xf32, #tpu.memory_space<hbm>>
      %dma_start3A_69 = arith.constant 0 : i32
      %dma_start3A_70 = tpu.memref_slice %arg10[%mul3A_66, %dma_start3A_69] : memref<10240x128xf32, #tpu.memory_space<vmem_shared>> -> memref<128x128xf32, #tpu.memory_space<vmem_shared>>
      tpu.enqueue_dma source(%dma_start3A_70 : memref<128x128xf32, #tpu.memory_space<vmem_shared>>) target(%dma_start3A_68 : memref<128x128xf32, #tpu.memory_space<hbm>>) target_semaphore(%run_scoped3A : memref<!tpu.dma_semaphore, #tpu.memory_space<semaphore_mem>>)
      %dma_wait3A = arith.constant 0 : i32
      %dma_wait3A_71 = tpu.memref_slice %arg6[%arg0, %mul3A_66, %dma_wait3A] : memref<2x10240x128xf32, #tpu.memory_space<hbm>> -> memref<1x128x128xf32, #tpu.memory_space<hbm>>
      %dma_wait3A_72 = tpu.memref_squeeze %dma_wait3A_71 : memref<1x128x128xf32, #tpu.memory_space<hbm>> -> memref<128x128xf32, #tpu.memory_space<hbm>>
      %dma_wait3A_73 = arith.constant 0 : i32
      %dma_wait3A_74 = tpu.memref_slice %arg10[%mul3A_66, %dma_wait3A_73] : memref<10240x128xf32, #tpu.memory_space<vmem_shared>> -> memref<128x128xf32, #tpu.memory_space<vmem_shared>>
      tpu.wait_dma2 semaphore(%run_scoped3A : memref<!tpu.dma_semaphore, #tpu.memory_space<semaphore_mem>>) src(%dma_wait3A_74 : memref<128x128xf32, #tpu.memory_space<vmem_shared>>) dst(%dma_wait3A_72 : memref<128x128xf32, #tpu.memory_space<hbm>>)
      tpu.yield
    }) : () -> ()
    return
  }
}

module attributes {stable_mosaic.version = 14 : i64} {
  func.func @_prep_kernel(%arg0: i32, %arg1: memref<2x1000x128xf32, #tpu.memory_space<vmem>>, %arg2: memref<1000x128xf32, #tpu.memory_space<vmem>>, %arg3: memref<1000x128xf32, #tpu.memory_space<vmem>>, %arg4: memref<1000x128xf32, #tpu.memory_space<vmem>>) attributes {dimension_semantics = [#tpu.dimension_semantics<arbitrary>], iteration_bounds = array<i64: 10>, scalar_prefetch = 0 : i64, scratch_operands = 0 : i64, tpu.core_type = #tpu.core_type<tc>, window_params = [{transform_indices = @transform_0, window_bounds = array<i64: 2, 1000, 128>}, {transform_indices = @transform_1, window_bounds = array<i64: 1000, 128>}, {transform_indices = @transform_2, window_bounds = array<i64: 1000, 128>}, {transform_indices = @transform_3, window_bounds = array<i64: 1000, 128>}]} {
    %get3A = arith.constant 0 : index
    %get3A_0 = arith.constant 0 : index
    %get3A_1 = arith.constant 0 : index
    %get3A_2 = vector.load %arg1[%get3A, %get3A_0, %get3A_1] : memref<2x1000x128xf32, #tpu.memory_space<vmem>>, vector<2x1000x128xf32>
    %slice3A = vector.extract_strided_slice %get3A_2 {offsets = [0, 0, 0], sizes = [1, 1000, 1], strides = [1, 1, 1]} : vector<2x1000x128xf32> to vector<1x1000x1xf32>
    %squeeze3A = vector.shape_cast %slice3A : vector<1x1000x1xf32> to vector<1000x1xf32>
    %slice3A_3 = vector.extract_strided_slice %get3A_2 {offsets = [1, 0, 0], sizes = [1, 1000, 1], strides = [1, 1, 1]} : vector<2x1000x128xf32> to vector<1x1000x1xf32>
    %squeeze3A_4 = vector.shape_cast %slice3A_3 : vector<1x1000x1xf32> to vector<1000x1xf32>
    %add3A = arith.addf %squeeze3A, %squeeze3A_4 : vector<1000x1xf32>
    %add3A_5 = arith.constant 1.000000e+00 : f32
    %add3A_6 = vector.broadcast %add3A_5 : f32 to vector<1000x1xf32>
    %add3A_7 = arith.addf %add3A, %add3A_6 : vector<1000x1xf32>
    %rsqrt3A = math.rsqrt %add3A_7 : vector<1000x1xf32>
    %broadcast_in_dim3A = vector.shape_cast %rsqrt3A : vector<1000x1xf32> to vector<1000x1xf32>
    %broadcast_in_dim3A_8 = vector.broadcast %broadcast_in_dim3A : vector<1000x1xf32> to vector<1000x128xf32>
    %swap3A = arith.constant 0 : index
    %swap3A_9 = arith.constant 0 : index
    %swap3A_10 = vector.load %arg3[%swap3A, %swap3A_9] : memref<1000x128xf32, #tpu.memory_space<vmem>>, vector<1000x128xf32>
    tpu.vector_store %arg3[%swap3A, %swap3A_9], %broadcast_in_dim3A_8 {strides = array<i32>} : memref<1000x128xf32, #tpu.memory_space<vmem>>, vector<1000x128xf32>,
    %get3A_11 = arith.constant 0 : index
    %get3A_12 = arith.constant 0 : index
    %get3A_13 = vector.load %arg2[%get3A_11, %get3A_12] : memref<1000x128xf32, #tpu.memory_space<vmem>>, vector<1000x128xf32>
    %mul3A = arith.mulf %get3A_13, %broadcast_in_dim3A_8 : vector<1000x128xf32>
    %swap3A_14 = arith.constant 0 : index
    %swap3A_15 = arith.constant 0 : index
    %swap3A_16 = vector.load %arg4[%swap3A_14, %swap3A_15] : memref<1000x128xf32, #tpu.memory_space<vmem>>, vector<1000x128xf32>
    tpu.vector_store %arg4[%swap3A_14, %swap3A_15], %mul3A {strides = array<i32>} : memref<1000x128xf32, #tpu.memory_space<vmem>>, vector<1000x128xf32>,
    return
  }
  func.func @transform_0(%arg0: i32) -> (i32, i32, i32) {
    %c0_i32 = arith.constant 0 : i32
    %c0_i32_0 = arith.constant 0 : i32
    %c0_i32_1 = arith.constant 0 : i32
    return %c0_i32, %arg0, %c0_i32_0 : i32, i32, i32
  }
  func.func @transform_1(%arg0: i32) -> (i32, i32) {
    %c0_i32 = arith.constant 0 : i32
    %c0_i32_0 = arith.constant 0 : i32
    return %arg0, %c0_i32 : i32, i32
  }
  func.func @transform_2(%arg0: i32) -> (i32, i32) {
    %c0_i32 = arith.constant 0 : i32
    %c0_i32_0 = arith.constant 0 : i32
    return %arg0, %c0_i32 : i32, i32
  }
  func.func @transform_3(%arg0: i32) -> (i32, i32) {
    %c0_i32 = arith.constant 0 : i32
    %c0_i32_0 = arith.constant 0 : i32
    return %arg0, %c0_i32 : i32, i32
  }
}

module attributes {stable_mosaic.version = 14 : i64} {
  func.func @_layer_kernel(%arg0: i32, %arg1: memref<2x1000x128xf32, #tpu.memory_space<vmem>>, %arg2: memref<1000x128xf32, #tpu.memory_space<vmem>>, %arg3: memref<1000x128xf32, #tpu.memory_space<vmem>>, %arg4: memref<1000x128xf32, #tpu.memory_space<vmem>>, %arg5: memref<128x128xf32, #tpu.memory_space<vmem>>, %arg6: memref<1000x128xf32, #tpu.memory_space<vmem>>, %arg7: memref<1000x128xf32, #tpu.memory_space<vmem>>) attributes {dimension_semantics = [#tpu.dimension_semantics<arbitrary>], iteration_bounds = array<i64: 10>, scalar_prefetch = 0 : i64, scratch_operands = 0 : i64, tpu.core_type = #tpu.core_type<tc>, window_params = [{transform_indices = @transform_0, window_bounds = array<i64: 2, 1000, 128>}, {transform_indices = @transform_1, window_bounds = array<i64: 1000, 128>}, {transform_indices = @transform_2, window_bounds = array<i64: 1000, 128>}, {transform_indices = @transform_3, window_bounds = array<i64: 1000, 128>}, {pipeline_mode = #tpu.pipeline_mode<synchronous>, transform_indices = @transform_4, window_bounds = array<i64: 128, 128>}, {transform_indices = @transform_5, window_bounds = array<i64: 1000, 128>}, {transform_indices = @transform_6, window_bounds = array<i64: 1000, 128>}]} {
    %get3A = arith.constant 0 : index
    %get3A_0 = arith.constant 0 : index
    %get3A_1 = arith.constant 0 : index
    %get3A_2 = vector.load %arg1[%get3A, %get3A_0, %get3A_1] : memref<2x1000x128xf32, #tpu.memory_space<vmem>>, vector<2x1000x128xf32>
    %get3A_3 = arith.constant 0 : index
    %get3A_4 = arith.constant 0 : index
    %get3A_5 = vector.load %arg4[%get3A_3, %get3A_4] : memref<1000x128xf32, #tpu.memory_space<vmem>>, vector<1000x128xf32>
    %slice3A = vector.extract_strided_slice %get3A_2 {offsets = [0, 0, 0], sizes = [1, 1000, 128], strides = [1, 1, 1]} : vector<2x1000x128xf32> to vector<1x1000x128xf32>
    %squeeze3A = vector.shape_cast %slice3A : vector<1x1000x128xf32> to vector<1000x128xf32>
    %slice3A_6 = vector.extract_strided_slice %get3A_2 {offsets = [1, 0, 0], sizes = [1, 1000, 128], strides = [1, 1, 1]} : vector<2x1000x128xf32> to vector<1x1000x128xf32>
    %squeeze3A_7 = vector.shape_cast %slice3A_6 : vector<1x1000x128xf32> to vector<1000x128xf32>
    %add3A = arith.addf %squeeze3A, %squeeze3A_7 : vector<1000x128xf32>
    %get3A_8 = arith.constant 0 : index
    %get3A_9 = arith.constant 0 : index
    %get3A_10 = vector.load %arg2[%get3A_8, %get3A_9] : memref<1000x128xf32, #tpu.memory_space<vmem>>, vector<1000x128xf32>
    %add3A_11 = arith.addf %add3A, %get3A_10 : vector<1000x128xf32>
    %mul3A = arith.mulf %get3A_5, %add3A_11 : vector<1000x128xf32>
    %mul3A_12 = arith.constant 0.899999976 : f32
    %mul3A_13 = vector.broadcast %mul3A_12 : f32 to vector<1000x128xf32>
    %mul3A_14 = arith.mulf %mul3A_13, %mul3A : vector<1000x128xf32>
    %get3A_15 = arith.constant 0 : index
    %get3A_16 = arith.constant 0 : index
    %get3A_17 = vector.load %arg3[%get3A_15, %get3A_16] : memref<1000x128xf32, #tpu.memory_space<vmem>>, vector<1000x128xf32>
    %mul3A_18 = arith.constant 1.000000e-01 : f32
    %mul3A_19 = vector.broadcast %mul3A_18 : f32 to vector<1000x128xf32>
    %mul3A_20 = arith.mulf %mul3A_19, %get3A_17 : vector<1000x128xf32>
    %add3A_21 = arith.addf %mul3A_14, %mul3A_20 : vector<1000x128xf32>
    %get3A_22 = arith.constant 0 : index
    %get3A_23 = arith.constant 0 : index
    %get3A_24 = vector.load %arg5[%get3A_22, %get3A_23] : memref<128x128xf32, #tpu.memory_space<vmem>>, vector<128x128xf32>
    %dot_general3A = arith.constant dense<0.000000e+00> : vector<1000x128xf32>
    %dot_general3A_25 = tpu.matmul %add3A_21, %get3A_24, %dot_general3A {dimension_numbers = #tpu.dot_dimension_numbers<[1], [0], [0], [1], [0, 0, 1, 1], [], []>, transpose_lhs_hint = false} : vector<1000x128xf32>, vector<128x128xf32>, vector<1000x128xf32> -> vector<1000x128xf32>
    %swap3A = arith.constant 0 : index
    %swap3A_26 = arith.constant 0 : index
    %swap3A_27 = vector.load %arg6[%swap3A, %swap3A_26] : memref<1000x128xf32, #tpu.memory_space<vmem>>, vector<1000x128xf32>
    tpu.vector_store %arg6[%swap3A, %swap3A_26], %dot_general3A_25 {strides = array<i32>} : memref<1000x128xf32, #tpu.memory_space<vmem>>, vector<1000x128xf32>,
    %get3A_28 = arith.constant 0 : index
    %get3A_29 = arith.constant 0 : index
    %get3A_30 = vector.load %arg4[%get3A_28, %get3A_29] : memref<1000x128xf32, #tpu.memory_space<vmem>>, vector<1000x128xf32>
    %mul3A_31 = arith.mulf %dot_general3A_25, %get3A_30 : vector<1000x128xf32>
    %swap3A_32 = arith.constant 0 : index
    %swap3A_33 = arith.constant 0 : index
    %swap3A_34 = vector.load %arg7[%swap3A_32, %swap3A_33] : memref<1000x128xf32, #tpu.memory_space<vmem>>, vector<1000x128xf32>
    tpu.vector_store %arg7[%swap3A_32, %swap3A_33], %mul3A_31 {strides = array<i32>} : memref<1000x128xf32, #tpu.memory_space<vmem>>, vector<1000x128xf32>,
    return
  }
  func.func @transform_0(%arg0: i32) -> (i32, i32, i32) {
    %c0_i32 = arith.constant 0 : i32
    %c0_i32_0 = arith.constant 0 : i32
    %c0_i32_1 = arith.constant 0 : i32
    return %c0_i32, %arg0, %c0_i32_0 : i32, i32, i32
  }
  func.func @transform_1(%arg0: i32) -> (i32, i32) {
    %c0_i32 = arith.constant 0 : i32
    %c0_i32_0 = arith.constant 0 : i32
    return %arg0, %c0_i32 : i32, i32
  }
  func.func @transform_2(%arg0: i32) -> (i32, i32) {
    %c0_i32 = arith.constant 0 : i32
    %c0_i32_0 = arith.constant 0 : i32
    return %arg0, %c0_i32 : i32, i32
  }
  func.func @transform_3(%arg0: i32) -> (i32, i32) {
    %c0_i32 = arith.constant 0 : i32
    %c0_i32_0 = arith.constant 0 : i32
    return %arg0, %c0_i32 : i32, i32
  }
  func.func @transform_4(%arg0: i32) -> (i32, i32) {
    %c0_i32 = arith.constant 0 : i32
    %c0_i32_0 = arith.constant 0 : i32
    %c0_i32_1 = arith.constant 0 : i32
    return %c0_i32, %c0_i32_0 : i32, i32
  }
  func.func @transform_5(%arg0: i32) -> (i32, i32) {
    %c0_i32 = arith.constant 0 : i32
    %c0_i32_0 = arith.constant 0 : i32
    return %arg0, %c0_i32 : i32, i32
  }
  func.func @transform_6(%arg0: i32) -> (i32, i32) {
    %c0_i32 = arith.constant 0 : i32
    %c0_i32_0 = arith.constant 0 : i32
    return %arg0, %c0_i32 : i32, i32
  }
}

module attributes {stable_mosaic.version = 14 : i64} {
  func.func @_layer_kernel(%arg0: i32, %arg1: memref<2x1000x128xf32, #tpu.memory_space<vmem>>, %arg2: memref<1000x128xf32, #tpu.memory_space<vmem>>, %arg3: memref<1000x128xf32, #tpu.memory_space<vmem>>, %arg4: memref<1000x128xf32, #tpu.memory_space<vmem>>, %arg5: memref<128x128xf32, #tpu.memory_space<vmem>>, %arg6: memref<1000x128xf32, #tpu.memory_space<vmem>>, %arg7: memref<1000x128xf32, #tpu.memory_space<vmem>>) attributes {dimension_semantics = [#tpu.dimension_semantics<arbitrary>], iteration_bounds = array<i64: 10>, scalar_prefetch = 0 : i64, scratch_operands = 0 : i64, tpu.core_type = #tpu.core_type<tc>, window_params = [{transform_indices = @transform_0, window_bounds = array<i64: 2, 1000, 128>}, {transform_indices = @transform_1, window_bounds = array<i64: 1000, 128>}, {transform_indices = @transform_2, window_bounds = array<i64: 1000, 128>}, {transform_indices = @transform_3, window_bounds = array<i64: 1000, 128>}, {pipeline_mode = #tpu.pipeline_mode<synchronous>, transform_indices = @transform_4, window_bounds = array<i64: 128, 128>}, {transform_indices = @transform_5, window_bounds = array<i64: 1000, 128>}, {transform_indices = @transform_6, window_bounds = array<i64: 1000, 128>}]} {
    %get3A = arith.constant 0 : index
    %get3A_0 = arith.constant 0 : index
    %get3A_1 = arith.constant 0 : index
    %get3A_2 = vector.load %arg1[%get3A, %get3A_0, %get3A_1] : memref<2x1000x128xf32, #tpu.memory_space<vmem>>, vector<2x1000x128xf32>
    %get3A_3 = arith.constant 0 : index
    %get3A_4 = arith.constant 0 : index
    %get3A_5 = vector.load %arg4[%get3A_3, %get3A_4] : memref<1000x128xf32, #tpu.memory_space<vmem>>, vector<1000x128xf32>
    %slice3A = vector.extract_strided_slice %get3A_2 {offsets = [0, 0, 0], sizes = [1, 1000, 128], strides = [1, 1, 1]} : vector<2x1000x128xf32> to vector<1x1000x128xf32>
    %squeeze3A = vector.shape_cast %slice3A : vector<1x1000x128xf32> to vector<1000x128xf32>
    %slice3A_6 = vector.extract_strided_slice %get3A_2 {offsets = [1, 0, 0], sizes = [1, 1000, 128], strides = [1, 1, 1]} : vector<2x1000x128xf32> to vector<1x1000x128xf32>
    %squeeze3A_7 = vector.shape_cast %slice3A_6 : vector<1x1000x128xf32> to vector<1000x128xf32>
    %add3A = arith.addf %squeeze3A, %squeeze3A_7 : vector<1000x128xf32>
    %get3A_8 = arith.constant 0 : index
    %get3A_9 = arith.constant 0 : index
    %get3A_10 = vector.load %arg2[%get3A_8, %get3A_9] : memref<1000x128xf32, #tpu.memory_space<vmem>>, vector<1000x128xf32>
    %add3A_11 = arith.addf %add3A, %get3A_10 : vector<1000x128xf32>
    %mul3A = arith.mulf %get3A_5, %add3A_11 : vector<1000x128xf32>
    %mul3A_12 = arith.constant 0.899999976 : f32
    %mul3A_13 = vector.broadcast %mul3A_12 : f32 to vector<1000x128xf32>
    %mul3A_14 = arith.mulf %mul3A_13, %mul3A : vector<1000x128xf32>
    %get3A_15 = arith.constant 0 : index
    %get3A_16 = arith.constant 0 : index
    %get3A_17 = vector.load %arg3[%get3A_15, %get3A_16] : memref<1000x128xf32, #tpu.memory_space<vmem>>, vector<1000x128xf32>
    %mul3A_18 = arith.constant 1.000000e-01 : f32
    %mul3A_19 = vector.broadcast %mul3A_18 : f32 to vector<1000x128xf32>
    %mul3A_20 = arith.mulf %mul3A_19, %get3A_17 : vector<1000x128xf32>
    %add3A_21 = arith.addf %mul3A_14, %mul3A_20 : vector<1000x128xf32>
    %get3A_22 = arith.constant 0 : index
    %get3A_23 = arith.constant 0 : index
    %get3A_24 = vector.load %arg5[%get3A_22, %get3A_23] : memref<128x128xf32, #tpu.memory_space<vmem>>, vector<128x128xf32>
    %dot_general3A = arith.constant dense<0.000000e+00> : vector<1000x128xf32>
    %dot_general3A_25 = tpu.matmul %add3A_21, %get3A_24, %dot_general3A {dimension_numbers = #tpu.dot_dimension_numbers<[1], [0], [0], [1], [0, 0, 1, 1], [], []>, transpose_lhs_hint = false} : vector<1000x128xf32>, vector<128x128xf32>, vector<1000x128xf32> -> vector<1000x128xf32>
    %swap3A = arith.constant 0 : index
    %swap3A_26 = arith.constant 0 : index
    %swap3A_27 = vector.load %arg6[%swap3A, %swap3A_26] : memref<1000x128xf32, #tpu.memory_space<vmem>>, vector<1000x128xf32>
    tpu.vector_store %arg6[%swap3A, %swap3A_26], %dot_general3A_25 {strides = array<i32>} : memref<1000x128xf32, #tpu.memory_space<vmem>>, vector<1000x128xf32>,
    %get3A_28 = arith.constant 0 : index
    %get3A_29 = arith.constant 0 : index
    %get3A_30 = vector.load %arg4[%get3A_28, %get3A_29] : memref<1000x128xf32, #tpu.memory_space<vmem>>, vector<1000x128xf32>
    %mul3A_31 = arith.mulf %dot_general3A_25, %get3A_30 : vector<1000x128xf32>
    %swap3A_32 = arith.constant 0 : index
    %swap3A_33 = arith.constant 0 : index
    %swap3A_34 = vector.load %arg7[%swap3A_32, %swap3A_33] : memref<1000x128xf32, #tpu.memory_space<vmem>>, vector<1000x128xf32>
    tpu.vector_store %arg7[%swap3A_32, %swap3A_33], %mul3A_31 {strides = array<i32>} : memref<1000x128xf32, #tpu.memory_space<vmem>>, vector<1000x128xf32>,
    return
  }
  func.func @transform_0(%arg0: i32) -> (i32, i32, i32) {
    %c0_i32 = arith.constant 0 : i32
    %c0_i32_0 = arith.constant 0 : i32
    %c0_i32_1 = arith.constant 0 : i32
    return %c0_i32, %arg0, %c0_i32_0 : i32, i32, i32
  }
  func.func @transform_1(%arg0: i32) -> (i32, i32) {
    %c0_i32 = arith.constant 0 : i32
    %c0_i32_0 = arith.constant 0 : i32
    return %arg0, %c0_i32 : i32, i32
  }
  func.func @transform_2(%arg0: i32) -> (i32, i32) {
    %c0_i32 = arith.constant 0 : i32
    %c0_i32_0 = arith.constant 0 : i32
    return %arg0, %c0_i32 : i32, i32
  }
  func.func @transform_3(%arg0: i32) -> (i32, i32) {
    %c0_i32 = arith.constant 0 : i32
    %c0_i32_0 = arith.constant 0 : i32
    return %arg0, %c0_i32 : i32, i32
  }
  func.func @transform_4(%arg0: i32) -> (i32, i32) {
    %c0_i32 = arith.constant 0 : i32
    %c0_i32_0 = arith.constant 0 : i32
    %c0_i32_1 = arith.constant 0 : i32
    return %c0_i32, %c0_i32_0 : i32, i32
  }
  func.func @transform_5(%arg0: i32) -> (i32, i32) {
    %c0_i32 = arith.constant 0 : i32
    %c0_i32_0 = arith.constant 0 : i32
    return %arg0, %c0_i32 : i32, i32
  }
  func.func @transform_6(%arg0: i32) -> (i32, i32) {
    %c0_i32 = arith.constant 0 : i32
    %c0_i32_0 = arith.constant 0 : i32
    return %arg0, %c0_i32 : i32, i32
  }
}

</mosaic_0001>

<sc_bundles>
// kernel: kernel.11.cloned.1.call-start
scs
__scs_entry_jumppad:
0x0: {  	(pc) =	sbr.rel $0x88, $3  }
0x1: {  	(tag) =	ssettag $0x0;
	lr =	simm.s32 $0x1  }
0x2: {  	[smem:$0x3F9D] =	sst lr;
	_ =	strace $0xD0000000  }
0x3: {  	_ = 	snop  }
0x4: {  	_ = 	snop  }
0x5: {  	_ = 	snop  }
0x6: {  	_ = 	snop  }
0x7: {  	_ = 	snop  }
__scs_overlays_trampoline_lowered:
0x8: {  	[smem:$0x3FAC] =	sst s0  }
0x9: {  	[smem:$0x3FAD] =	sst s1  }
0xa: {  	[smem:$0x3FAE] =	sst s2  }
0xb: {  	[smem:$0x3FAF] =	sst s3  }
0xc: {  	[smem:$0x3FB0] =	sst s4  }
0xd: {  	[smem:$0x3FB1] =	sst s5  }
0xe: {  	[smem:$0x3FB2] =	sst s6  }
0xf: {  	[smem:$0x3FB3] =	sst s7  }
0x10: {  	[smem:$0x3FB4] =	sst s8  }
0x11: {  	[smem:$0x3FB5] =	sst s9;
	s0 =	simm.s32 @!p0 $0x0  }
0x12: {  	s1 =	sld [smem:$0x3F9B];
	s0 =	simm.s32 @p0 $0x1  }
0x13: {  	[smem:$0x3FB6] =	sst s0;
	s0 =	simm.s32 @!p1 $0x0  }
0x14: {  	s2 =	sld [smem:$0x3F9A];
	s0 =	simm.s32 @p1 $0x1  }
0x15: {  	[smem:$0x3FB7] =	sst s0;
	s0 =	simm.s32 @!p2 $0x0  }
0x16: {  	s3 =	sld [smem:$0x3FDB];
	s0 =	simm.s32 @p2 $0x1  }
0x17: {  	s4 =	simm.s32 $0x1BF5;
	[smem:$0x3FB9] =	sst s0  }
0x18: {  	s0 =	sld [smem:$0x3F9C];
	_ =	swait.ge [sflag:s4], $0x0  }
0x19: {  	s7 =	sld [smem:$0x3F9D]  }
0x1a: {  	s8 =	sadd.s32 $0xFFFFE003, lr  }
0x1b: {  	s9 =	sadd.s32 $0xFFFFFEF7, lr;
	s5 =	simm.s32 $0xFFFFFFFF;
	p2 =	slt.u32 s8, $0xFFFFF086  }
0x1c: {  	p1 =	slt.u32 s9, $0xF7A;
	s5 =	simm.s32 @!p2 $0x0  }
0x1d: {  	s5 =	simm.s32 @p1 $0x1;
	p0 =	seq.s32 s7, s2  }
0x1e: {  	s7 =	smul.u32 @!p0 $0xF7A, s2;
	p2 =	seq.s32 @!p0 s5, $0x0  }
0x1f: {  	s9 =	smul.u32 $0xF7A, s1;
	s8 =	simm.s32 @!p0 $0x1BF5;
	p2 =	por !p2, p0  }
0x20: {  	[sflag:s8] =	ssyncset.s32 @!p0 $0xFFFFF086;
	s6 =	sadd.s32 @!p0 s3, s7;
	s7 =	simm.s32 @!p0 $0x108  }
0x21: {  	s3 =	sadd.s32 s3, s9;
	s6 =	sadd.s32 @!p0 $0x88, s6;
	s7 =	simm.s32 @p2 $0x1082  }
0x22: {  	[simem:s7], [sflag:s8] =	dma.local @!p0 [hbm:s6], $0xF7A  }
0x23: {  	s9 =	sor.u32 $0xD0000000, s2;
	s6 =	simm.s32 $0x108;
	_ =	swait.ge @!p0 [sflag:s8], $0x0  }
0x24: {  	s3 =	sadd.s32 $0x88, s3;
	s6 =	simm.s32 @!p1 $0x1082;
	[sflag:s4] =	ssyncset.s32 $0xFFFFF086  }
0x25: {  	[simem:s6], [sflag:s4] =	dma.local [hbm:s3], $0xF7A  }
0x26: {  	[smem:$0x3F9D] =	sst s1;
	(tag) =	ssettag s2;
	_ =	strace s9  }
0x27: {  	s1 =	sld [smem:$0x3FAD]  }
0x28: {  	s2 =	sld [smem:$0x3FAE]  }
0x29: {  	s4 =	sld [smem:$0x3FB0]  }
0x2a: {  	p0 =	seq.s32 s5, $0x0;
	s5 =	sld [smem:$0x3FB1]  }
0x2b: {  	s6 =	sld [smem:$0x3FB2]  }
0x2c: {  	s7 =	sld [smem:$0x3FB3]  }
0x2d: {  	s3 =	simm.s32 $0x108;
	s8 =	sld [smem:$0x3FB4]  }
0x2e: {  	s3 =	simm.s32 @!p0 $0x1082;
	s9 =	sld [smem:$0x3FB5]  }
0x2f: {  	lr =	sadd.s32 s0, s3;
	s0 =	sld [smem:$0x3FAC]  }
0x30: {  	s3 =	sld [smem:$0x3FAF]  }
0x31: {  	[smem:$0x3FB8] =	sst s10  }
0x32: {  	s10 =	sld [smem:$0x3FB6];
	_ =	sdelay $0x3  }
0x33: {  	p0 =	seq.s32 s10, $0x1;
	s10 =	sld [smem:$0x3FB8];
	_ =	sdelay $0x3  }
0x34: {  	[smem:$0x3FB8] =	sst s10  }
0x35: {  	s10 =	sld [smem:$0x3FB7];
	_ =	sdelay $0x3  }
0x36: {  	p1 =	seq.s32 s10, $0x1;
	s10 =	sld [smem:$0x3FB8];
	_ =	sdelay $0x3  }
0x37: {  	[smem:$0x3FB8] =	sst s10  }
0x38: {  	s10 =	sld [smem:$0x3FB9]  }
0x39: {  	_ = 	snop;
	(pc) =	sbr.ind lr, $3  }
0x3a: {  	_ = 	snop  }
0x3b: {  	_ = 	snop  }
0x3c: {  	p2 =	seq.s32 s10, $0x1;
	s10 =	sld [smem:$0x3FB8]  }
0x3d: {  	_ =	shalt  }
0x3e: {  	_ =	shalt  }
0x3f: {  	_ =	shalt  }
0x40: {  	_ =	shalt  }
0x41: {  	_ =	shalt  }
0x42: {  	_ =	shalt  }
0x43: {  	_ =	shalt  }
0x44: {  	_ =	shalt  }
0x45: {  	_ =	shalt  }
0x46: {  	_ =	shalt  }
0x47: {  	_ =	shalt  }
0x48: {  	_ =	shalt  }
0x49: {  	_ =	shalt  }
0x4a: {  	_ =	shalt  }
0x4b: {  	_ =	shalt  }
0x4c: {  	_ =	shalt  }
0x4d: {  	_ =	shalt  }
0x4e: {  	_ =	shalt  }
0x4f: {  	_ =	shalt  }
0x50: {  	_ =	shalt  }
0x51: {  	_ =	shalt  }
0x52: {  	_ =	shalt  }
0x53: {  	_ =	shalt  }
0x54: {  	_ =	shalt  }
0x55: {  	_ =	shalt  }
0x56: {  	_ =	shalt  }
0x57: {  	_ =	shalt  }
0x58: {  	_ =	shalt  }
0x59: {  	_ =	shalt  }
0x5a: {  	_ =	shalt  }
0x5b: {  	_ =	shalt  }
0x5c: {  	_ =	shalt  }
0x5d: {  	_ =	shalt  }
0x5e: {  	_ =	shalt  }
0x5f: {  	_ =	shalt  }
0x60: {  	_ =	shalt  }
0x61: {  	_ =	shalt  }
0x62: {  	_ =	shalt  }
0x63: {  	_ =	shalt  }
0x64: {  	_ =	shalt  }
0x65: {  	_ =	shalt  }
0x66: {  	_ =	shalt  }
0x67: {  	_ =	shalt  }
0x68: {  	_ =	shalt  }
0x69: {  	_ =	shalt  }
0x6a: {  	_ =	shalt  }
0x6b: {  	_ =	shalt  }
0x6c: {  	_ =	shalt  }
0x6d: {  	_ =	shalt  }
0x6e: {  	_ =	shalt  }
0x6f: {  	_ =	shalt  }
0x70: {  	_ =	shalt  }
0x71: {  	_ =	shalt  }
0x72: {  	_ =	shalt  }
0x73: {  	_ =	shalt  }
0x74: {  	_ =	shalt  }
0x75: {  	_ =	shalt  }
0x76: {  	_ =	shalt  }
0x77: {  	_ =	shalt  }
0x78: {  	_ =	shalt  }
0x79: {  	_ =	shalt  }
0x7a: {  	_ =	shalt  }
0x7b: {  	_ =	shalt  }
0x7c: {  	_ =	shalt  }
0x7d: {  	_ =	shalt  }
0x7e: {  	_ =	shalt  }
0x7f: {  	_ =	shalt  }
0x80: {  	_ =	shalt  }
0x81: {  	_ =	shalt  }
0x82: {  	_ =	shalt  }
0x83: {  	_ =	shalt  }
0x84: {  	_ =	shalt  }
0x85: {  	_ =	shalt  }
0x86: {  	_ =	shalt  }
0x87: {  	_ =	shalt  }
.Lfunc_end0:
.L_simem_size_0:
called_computation.1_lowered:
.L_overlay_start_0:
0x88: {  	s2 =	sld [smem:$0x3FD9]  }
0x89: {  	s3 =	sld [smem:$0x3FFE];
	_ =	sdelay $0x1  }
0x8a: {  	s1 =	srdreg.scid  }
0x8b: {  	s0 =	sand.u32 $0x1, s1  }
0x8c: {  	s17 =	sshll.u32 s0, $0xA;
	s2 =	sadd.s32 s3, s2  }
0x8d: {  	s2 =	sadd.s32 s2, s17  }
0x8e: {  	[smem:$0x3FC4] =	sst s2  }
0x8f: {  	_ = 	snop  }
0x90: {  	s2 =	sld [smem:$0x3FD0];
	(tm) =	ssettm $0x1  }
0x91: {  	s18 =	sld [smem:$0x3FFB];
	_ =	sdelay $0x3  }
0x92: {  	_ =	strace s18  }
0x93: {  	s3 =	sld [smem:$0x3FFC];
	_ =	sdelay $0x3  }
0x94: {  	_ =	strace s3  }
0x95: {  	s3 =	sld [smem:$0x3FFD];
	_ =	sdelay $0x3  }
0x96: {  	_ =	strace s3  }
0x97: {  	_ =	strace $0x8FFFFFFF  }
0x98: {  	s19 =	sld [smem:$0x3FDB];
	_ =	sdelay $0x1  }
0x99: {  	s4 =	simm.s32 $_scs_section_size  }
0x9a: {  	s5 =	simm.s32 $_size__tile_overlayer_lowered;
	s6 =	simm.s32 $_tile_overlayer_lowered  }
0x9b: {  	s22 =	simm.s32 $0x1BFF;
	s21 =	sshll.u32 s6, $0x1;
	s3 =	sadd.s32 s4, s19  }
0x9c: {  	s7 =	simm.s32 $0x0;
	s20 =	sshll.u32 s5, $0x1;
	s5 =	sadd.s32 s21, s3  }
0x9d: {  	[timem:s7], [sflag:s22] =	dma.local [hbm:s5], s20  }
0x9e: {  	_ =	swait.ge [sflag:s22], s20  }
0x9f: {  	s4 =	ssub.s32 $0x0, s20;
	[sflag:s22] =	ssyncset.done $0x0  }
0xa0: {  	[sflag:s22] =	ssyncadd.s32 s4;
	_ =	sdelay $0x1  }
0xa1: {  	s23 =	simm.s32 $0x1B8B  }
0xa2: {  	_ =	swait.ge [sflag:s23], $0x1  }
0xa3: {  	[sflag:s23] =	ssyncset.done $0x0  }
0xa4: {  	s25 =	simm.s32 $0x1B8E;
	s24 =	sld [smem:$0x3FFE];
	[sflag:s23] =	ssyncadd.s32 $0xFFFFFFFF  }
0xa5: {  	s26 =	simm.s32 $execute0_lowered;
	[smem:$0x3FD2] =	sst s25  }
0xa6: {  	s5 =	sshll.u32 s26, $0x1;
	_ =	strace $0x80000049;
	[dreg:$0x1] =	wrdreg $0xFFFFFFFF  }
0xa7: {  	s28 =	simm.s32 $_size_execute0_lowered;
	s3 =	sadd.s32 s3, s5;
	[dreg:$0x0] =	wrdreg $0x0  }
0xa8: {  	s5 =	sshll.u32 s28, $0x1;
	[dreg:$0x2] =	wrdreg s3  }
0xa9: {  	[dreg:$0x3] =	wrdreg s5  }
0xaa: {  	[dreg:$0x4] =	wrdreg $0xC0  }
0xab: {  	_ =	task [dreg:s7], $0x5FFFF  }
0xac: {  	[dreg:$0x1] =	wrdreg $0xFFFFFFFF  }
0xad: {  	[dreg:$0x0] =	wrdreg $0x60  }
0xae: {  	[dreg:$0x2] =	wrdreg s2  }
0xaf: {  	[dreg:$0x3] =	wrdreg s24  }
0xb0: {  	[dreg:$0x4] =	wrdreg $0x41000  }
0xb1: {  	[dreg:$0x5] =	wrdreg $0x9  }
0xb2: {  	_ =	task.clear_ibuf [dreg:s7], $0x6FFFF;
	_ =	strace $0x90000049  }
0xb3: {  	s29 =	simm.s32 $0x9;
	_ =	strace $0x8000004B  }
0xb4: {  	_ =	swait.ge [sflag:s29], $0x1  }
0xb5: {  	[sflag:s29] =	ssyncadd.s32 $0xFFFFFFFF  }
0xb6: {  	_ =	strace $0x9000004B  }
0xb7: {  	_ =	sfence  }
0xb8: {  	s30 =	sld [smem:$0x0];
	_ =	sdelay $0x2  }
0xb9: {  	s31 =	sshll.u32 s1, $0xD;
	s1 =	sshrl.u32 s1, $0x2  }
0xba: {  	s3 =	sand.u32 $0x4000, s31;
	s1 =	sadd.s32 s1, s30  }
0xbb: {  	s0 =	sor.u32 s3, s0;
	s1 =	sshll.u32 s1, $0x11  }
0xbc: {  	s0 =	sor.u32 s1, s0  }
0xbd: {  	s0 =	sadd.s32 $0x8F2B, s0  }
0xbe: {  	[sflag:s0] =	ssyncadd.remote.s32 $0x1  }
0xbf: {  	_ =	sfence.sel $0xFFFF  }
0xc0: {  	[dreg:$0x0] =	wrdreg $0xFFFFFFFF;
	(pc) =	sbr.abs _section_cstart, $3  }
0xc1: {  	[dreg:$0x1] =	wrdreg $0xFFFFFFFF  }
0xc2: {  	_ =	task.clear_ibuf [dreg:s7], $0x2FFFF;
	_ =	strace $0x9FFFFFFF  }
0xc3: {  	(tm) =	ssettm $0x7FFFFFFF  }
tec
execute0_lowered:
.L_overlay_start_1:
0x0: {  	(tag) =	ssettag $0x1  }
0x1: {  	s2 =	rddreg [dreg:$0x0]  }
0x2: {  	s0 =	rddreg [dreg:$0x1]  }
0x3: {  	s3 =	rddreg [dreg:$0x2];
	s1 =	stileid.u32  }
0x4: {  	s4 =	simm.s32 $0x0;
	s6 =	srdreg.scid;
	s5 =	smul.u32 $0x9E0, s1  }
0x5: {  	s22 =	simm.s32 $0x100;
	[smem:$0x7FF] =	sst s4;
	s7 =	smul.u32 $0x50000, s1  }
0x6: {  	s14 =	sand.u32 $0x1, s6;
	s11 =	smul.u32 $0x14000, s1;
	s24 =	sshll.u32 s1, $0x6  }
0x7: {  	_ =	strace $0x8000004A;
	s6 =	ssub.s32 $0x2, s14;
	s19 =	smul.u32 $0x140000, s14  }
0x8: {  	s28 =	smul.u32 $0x4F0, s14;
	s16 =	sadd.s32 s5, s0;
	s5 =	sadd.s32 $0xC600, s0  }
0x9: {  	s0 =	sadd.s32 $0x66C00, s0;
	s8 =	sshrl.u32 s6, $0x1;
	s23 =	sshrl.u32 s7, $0x2  }
0xa: {  	s7 =	sor.u32 $0x1C02, s24;
	s12 =	sadd.s32 $0x4000, s11;
	s15 =	sadd.s32 $0x8000, s11  }
0xb: {  	s18 =	sadd.s32 $0xC000, s11;
	s20 =	sadd.s32 $0x10000, s11;
	s24 =	simm.s32 $0x0  }
0xc: {  	s17 =	ssub.s32 s6, s8;
	s25 =	sadd.s32 s23, s3;
	s26 =	sadd.s32 s12, s3  }
0xd: {  	s9 =	sadd.s32 s15, s3;
	s10 =	sadd.s32 s18, s3;
	s13 =	sadd.s32 s11, s19  }
0xe: {  	s12 =	sadd.s32 s19, s12;
	s11 =	sadd.s32 s20, s3;
	s15 =	sadd.s32 s19, s15  }
0xf: {  	s18 =	sadd.s32 s19, s18;
	s30 =	sadd.s32 s19, s20;
	s31 =	sadd.s32 s28, s16  }
0x10: {  	s20 =	simm.s32 $0x2;
	s23 =	simm.s32 $0x1;
	[dreg:$0x4] =	wrdreg s25  }
0x11: {  	[dreg:$0x5] =	wrdreg s26;
	s13 =	sshrl.u32 s13, $0x3;
	s21 =	sshrl.u32 s12, $0x3  }
0x12: {  	s15 =	sshrl.u32 s15, $0x3;
	s29 =	sshrl.u32 s18, $0x3;
	s18 =	sshrl.u32 s30, $0x3  }
0x13: {  	s17 =	smax.u32 s17, $0x1;
	s19 =	sadd.s32 $0x5CE00, s31;
	s12 =	sadd.s32 s0, s13  }
0x14: {  	s13 =	sadd.s32 s0, s21;
	s14 =	sadd.s32 s0, s15;
	s15 =	sadd.s32 s0, s29  }
0x15: {  	s16 =	sadd.s32 s0, s18;
	s18 =	sadd.s32 $0x2800, s31;
	s21 =	simm.s32 $0x80  }
.LBB2_1:
0x16: {  	s0 =	rddreg [dreg:$0x4]  }
0x17: {  	s25 =	sshrl.u32 s0, $0x3  }
0x18: {  	[spmem:s25], [sflag:s7] =	dma.local [hbm:s5], $0x800  }
0x19: {  	_ =	swait.ge [sflag:s20], $0x800  }
0x1a: {  	[sflag:s20] =	ssyncset.done $0x0;
	s1 =	rddreg [dreg:$0x5]  }
0x1b: {  	[sflag:s20] =	ssyncadd.s32 $0xFFFFF800;
	s26 =	sshrl.u32 s1, $0x3  }
0x1c: {  	[spmem:s26], [sflag:s7] =	dma.local [hbm:s5], $0x800  }
0x1d: {  	_ =	swait.ge [sflag:s20], $0x800  }
0x1e: {  	[sflag:s20] =	ssyncset.done $0x0  }
0x1f: {  	s28 =	sshrl.u32 s9, $0x3;
	[sflag:s20] =	ssyncadd.s32 $0xFFFFF800  }
0x20: {  	[spmem:s28], [sflag:s7] =	dma.local [hbm:s5], $0x800  }
0x21: {  	_ =	swait.ge [sflag:s20], $0x800  }
0x22: {  	[sflag:s20] =	ssyncset.done $0x0  }
0x23: {  	s29 =	sshrl.u32 s10, $0x3;
	[sflag:s20] =	ssyncadd.s32 $0xFFFFF800  }
0x24: {  	[spmem:s29], [sflag:s7] =	dma.local [hbm:s5], $0x800  }
0x25: {  	_ =	swait.ge [sflag:s20], $0x800  }
0x26: {  	[sflag:s20] =	ssyncset.done $0x0  }
0x27: {  	s30 =	sshrl.u32 s11, $0x3;
	[sflag:s20] =	ssyncadd.s32 $0xFFFFF800  }
0x28: {  	[spmem:s30], [sflag:s7] =	dma.local [hbm:s5], $0x800  }
0x29: {  	_ =	swait.ge [sflag:s20], $0x800  }
0x2a: {  	[sflag:s20] =	ssyncset.done $0x0  }
0x2b: {  	[sflag:s20] =	ssyncadd.s32 $0xFFFFF800  }
0x2c: {  	s6 =	sadd.s32 $0x0, s19;
	[bflag:$0x0] =	sbarrier.arrive $0xFFFF  }
0x2d: {  	[tilespmem:s4], [sflag:$0x2] =	stream.linear.gather [hbm4b:s6+s4], $0x80, $0x38;
	[tilespmem:$0x18100] =	vst v63  }
0x2e: {  	_ =	swait.ge [sflag:s20], $0x80  }
0x2f: {  	[sflag:s20] =	ssyncset.done $0x0  }
0x30: {  	[sflag:s20] =	ssyncadd.s32 $0xFFFFFF80  }
0x31: {  	[tilespmem:s22], [sflag:$0x1] =	stream.indirect.gather [hbm4b:s2+s21], $0x80, s4, s21, $0xb8;
	[tilespmem:$0x18100] =	vst v63  }
0x32: {  	_ =	swait.ge [sflag:s23], $0x4000  }
0x33: {  	[sflag:s23] =	ssyncset.done $0x0  }
0x34: {  	s8 =	sadd.s32 $0x0, s18;
	[sflag:s23] =	ssyncadd.s32 $0xFFFFC000  }
0x35: {  	[tilespmem:s21], [sflag:$0x2] =	stream.linear.gather [hbm4b:s8+s4], $0x80, $0x38;
	[tilespmem:$0x18100] =	vst v63  }
0x36: {  	_ =	swait.ge [sflag:s20], $0x80  }
0x37: {  	[sflag:s20] =	ssyncset.done $0x0  }
0x38: {  	[sflag:s20] =	ssyncadd.s32 $0xFFFFFF80  }
0x39: {  	[spmem:s3] =	stream.indirect.scatter.add.f32 [tilespmem:s22], [sflag:$0x2], $0x80, s21, s21, $0xb8;
	[tilespmem:$0x18100] =	vst v63  }
0x3a: {  	_ =	swait.ge [sflag:s20], $0x4000  }
0x3b: {  	s31 =	simm.s32 $0x10;
	s0 =	simm.s32 $0x20;
	[sflag:s20] =	ssyncset.done $0x0  }
.LBB2_2:
0x3c: {  	s1 =	sadd.s32 s31, s19  }
0x3d: {  	[sflag:s20] =	ssyncadd.s32 $0xFFFFC000;
	s6 =	smov.u32 s0;
	s8 =	sadd.s32 $0x10, s0  }
0x3e: {  	[tilespmem:s4], [sflag:$0x2] =	stream.linear.gather [hbm4b:s1+s4], $0x80, $0x38;
	[tilespmem:$0x18100] =	vst v63  }
0x3f: {  	p0 =	sne.s32 s0, $0x4E0;
	_ =	swait.ge [sflag:s20], $0x80  }
0x40: {  	[sflag:s20] =	ssyncset.done $0x0  }
0x41: {  	[sflag:s20] =	ssyncadd.s32 $0xFFFFFF80  }
0x42: {  	[tilespmem:s22], [sflag:$0x1] =	stream.indirect.gather [hbm4b:s2+s21], $0x80, s4, s21, $0xb8;
	[tilespmem:$0x18100] =	vst v63  }
0x43: {  	_ =	swait.ge [sflag:s23], $0x4000  }
0x44: {  	[sflag:s23] =	ssyncset.done $0x0  }
0x45: {  	s0 =	sadd.s32 s31, s18;
	s31 =	smov.u32 s6;
	[sflag:s23] =	ssyncadd.s32 $0xFFFFC000  }
0x46: {  	[tilespmem:s21], [sflag:$0x2] =	stream.linear.gather [hbm4b:s0+s4], $0x80, $0x38;
	[tilespmem:$0x18100] =	vst v63  }
0x47: {  	_ =	swait.ge [sflag:s20], $0x80  }
.Ltmp0:
0x48: {  	[sflag:s20] =	ssyncset.done $0x0;
	(pc) =	sbr.rel @p0 .LBB2_2-.Ltmp0, $4  }
0x49: {  	[sflag:s20] =	ssyncadd.s32 $0xFFFFFF80  }
0x4a: {  	[spmem:s3] =	stream.indirect.scatter.add.f32 [tilespmem:s22], [sflag:$0x2], $0x80, s21, s21, $0xb8;
	[tilespmem:$0x18100] =	vst v63  }
0x4b: {  	_ =	swait.ge [sflag:s20], $0x4000  }
0x4c: {  	s0 =	smov.u32 s8;
	[sflag:s20] =	ssyncset.done $0x0  }
0x4d: {  	s0 =	sadd.s32 s31, s19;
	[sflag:s20] =	ssyncadd.s32 $0xFFFFC000  }
0x4e: {  	[tilespmem:s4], [sflag:$0x2] =	stream.linear.gather [hbm4b:s0+s4], $0x80, $0x38;
	[tilespmem:$0x18100] =	vst v63  }
0x4f: {  	_ =	swait.ge [sflag:s20], $0x80  }
0x50: {  	[sflag:s20] =	ssyncset.done $0x0  }
0x51: {  	[sflag:s20] =	ssyncadd.s32 $0xFFFFFF80  }
0x52: {  	[tilespmem:s22], [sflag:$0x1] =	stream.indirect.gather [hbm4b:s2+s21], $0x80, s4, s21, $0xb8;
	[tilespmem:$0x18100] =	vst v63  }
0x53: {  	_ =	swait.ge [sflag:s23], $0x4000  }
0x54: {  	[sflag:s23] =	ssyncset.done $0x0  }
0x55: {  	s31 =	sadd.s32 s31, s18;
	[sflag:s23] =	ssyncadd.s32 $0xFFFFC000  }
0x56: {  	[tilespmem:s21], [sflag:$0x2] =	stream.linear.gather [hbm4b:s31+s4], $0x80, $0x38;
	[tilespmem:$0x18100] =	vst v63  }
0x57: {  	_ =	swait.ge [sflag:s20], $0x80  }
0x58: {  	[sflag:s20] =	ssyncset.done $0x0  }
0x59: {  	[sflag:s20] =	ssyncadd.s32 $0xFFFFFF80  }
0x5a: {  	[spmem:s3] =	stream.indirect.scatter.add.f32 [tilespmem:s22], [sflag:$0x2], $0x80, s21, s21, $0xb8;
	[tilespmem:$0x18100] =	vst v63  }
0x5b: {  	_ =	swait.ge [sflag:s20], $0x4000  }
0x5c: {  	[sflag:s20] =	ssyncset.done $0x0  }
0x5d: {  	[sflag:s20] =	ssyncadd.s32 $0xFFFFC000  }
0x5e: {  	[bflag:$0x0] =	sbarrier.arrive $0xFFFF  }
0x5f: {  	[hbm:s12], [sflag:s7] =	dma.local [spmem:s25], $0x800  }
0x60: {  	_ =	swait.ge [sflag:s20], $0x800  }
0x61: {  	[sflag:s20] =	ssyncset.done $0x0  }
0x62: {  	[sflag:s20] =	ssyncadd.s32 $0xFFFFF800  }
0x63: {  	[hbm:s13], [sflag:s7] =	dma.local [spmem:s26], $0x800  }
0x64: {  	_ =	swait.ge [sflag:s20], $0x800  }
0x65: {  	[sflag:s20] =	ssyncset.done $0x0  }
0x66: {  	[sflag:s20] =	ssyncadd.s32 $0xFFFFF800  }
0x67: {  	[hbm:s14], [sflag:s7] =	dma.local [spmem:s28], $0x800  }
0x68: {  	_ =	swait.ge [sflag:s20], $0x800  }
0x69: {  	[sflag:s20] =	ssyncset.done $0x0  }
0x6a: {  	[sflag:s20] =	ssyncadd.s32 $0xFFFFF800  }
0x6b: {  	[hbm:s15], [sflag:s7] =	dma.local [spmem:s29], $0x800  }
0x6c: {  	s24 =	sadd.s32 $0x1, s24;
	_ =	swait.ge [sflag:s20], $0x800  }
0x6d: {  	p0 =	sne.s32 s24, s17;
	[sflag:s20] =	ssyncset.done $0x0  }
.Ltmp1:
0x6e: {  	[sflag:s20] =	ssyncadd.s32 $0xFFFFF800;
	(pc) =	sbr.rel @p0 .LBB2_1-.Ltmp1, $4  }
0x6f: {  	[hbm:s16], [sflag:s7] =	dma.local [spmem:s30], $0x800  }
0x70: {  	_ =	swait.ge [sflag:s20], $0x800  }
0x71: {  	[sflag:s20] =	ssyncset.done $0x0  }
0x72: {  	[sflag:s20] =	ssyncadd.s32 $0xFFFFF800  }
0x73: {  	_ =	sfence.sel $0x180000  }
0x74: {  	[bflag:$0x0] =	sbarrier.arrive $0xFFFF  }
0x75: {  	_ =	strace $0x9000004A  }
0x76: {  	s0 =	stileid.u32;
	[bflag:$0x2] =	sbarrier.arrive $0xFFFF  }
0x77: {  	p0 =	sne.s32 s0, $0x0;
	s0 =	rddreg [dreg:$0x3]  }
0x78: {  	s0 =	sadd.s32 @!p0 $0x100000, s0  }
0x79: {  	[sflag:s0] =	ssyncadd.tile.s32 @!p0 $0x1;
	_ =	shalt  }
.Lfunc_end2:
_tile_overlayer_lowered:
.L_overlay_start_2:
0x7a: {  	(tag) =	ssettag $0x2  }
0x7b: {  	s0 =	rddreg [dreg:$0x0];
	s2 =	stileid.u32  }
0x7c: {  	s1 =	rddreg [dreg:$0x1];
	p0 =	sne.s32 s2, $0x0  }
0x7d: {  	s3 =	rddreg [dreg:$0x2];
	[bflag:$0x3] =	sbarrier.arrive $0xFFFF;
	s2 =	simm.s32 @!p0 $0x1C02  }
0x7e: {  	[timem:s3], [sflag:s2] =	dma.local @!p0 [hbm:s0], s1  }
0x7f: {  	s0 =	simm.s32 @!p0 $0x2  }
0x80: {  	_ =	swait.ge @!p0 [sflag:s0], s1  }
0x81: {  	s1 =	ssub.s32 @!p0 $0x0, s1;
	[sflag:s0] =	ssyncset.done @!p0 $0x0  }
0x82: {  	[sflag:s0] =	ssyncadd.s32 @!p0 s1  }
0x83: {  	[bflag:$0x3] =	sbarrier.arrive $0xFFFF  }
0x84: {  	_ =	shalt  }

// kernel: kernel.14.cloned.1.call-start
scs
__scs_entry_jumppad:
0x0: {  	(pc) =	sbr.rel $0x88, $3  }
0x1: {  	(tag) =	ssettag $0x0;
	lr =	simm.s32 $0x1  }
0x2: {  	[smem:$0x3F9D] =	sst lr;
	_ =	strace $0xD0000000  }
0x3: {  	_ = 	snop  }
0x4: {  	_ = 	snop  }
0x5: {  	_ = 	snop  }
0x6: {  	_ = 	snop  }
0x7: {  	_ = 	snop  }
__scs_overlays_trampoline_lowered:
0x8: {  	[smem:$0x3FAC] =	sst s0  }
0x9: {  	[smem:$0x3FAD] =	sst s1  }
0xa: {  	[smem:$0x3FAE] =	sst s2  }
0xb: {  	[smem:$0x3FAF] =	sst s3  }
0xc: {  	[smem:$0x3FB0] =	sst s4  }
0xd: {  	[smem:$0x3FB1] =	sst s5  }
0xe: {  	[smem:$0x3FB2] =	sst s6  }
0xf: {  	[smem:$0x3FB3] =	sst s7  }
0x10: {  	[smem:$0x3FB4] =	sst s8  }
0x11: {  	[smem:$0x3FB5] =	sst s9;
	s0 =	simm.s32 @!p0 $0x0  }
0x12: {  	s1 =	sld [smem:$0x3F9B];
	s0 =	simm.s32 @p0 $0x1  }
0x13: {  	[smem:$0x3FB6] =	sst s0;
	s0 =	simm.s32 @!p1 $0x0  }
0x14: {  	s2 =	sld [smem:$0x3F9A];
	s0 =	simm.s32 @p1 $0x1  }
0x15: {  	[smem:$0x3FB7] =	sst s0;
	s0 =	simm.s32 @!p2 $0x0  }
0x16: {  	s3 =	sld [smem:$0x3FDB];
	s0 =	simm.s32 @p2 $0x1  }
0x17: {  	s4 =	simm.s32 $0x1BF5;
	[smem:$0x3FB9] =	sst s0  }
0x18: {  	s0 =	sld [smem:$0x3F9C];
	_ =	swait.ge [sflag:s4], $0x0  }
0x19: {  	s7 =	sld [smem:$0x3F9D]  }
0x1a: {  	s8 =	sadd.s32 $0xFFFFE003, lr  }
0x1b: {  	s9 =	sadd.s32 $0xFFFFFEF7, lr;
	s5 =	simm.s32 $0xFFFFFFFF;
	p2 =	slt.u32 s8, $0xFFFFF086  }
0x1c: {  	p1 =	slt.u32 s9, $0xF7A;
	s5 =	simm.s32 @!p2 $0x0  }
0x1d: {  	s5 =	simm.s32 @p1 $0x1;
	p0 =	seq.s32 s7, s2  }
0x1e: {  	s7 =	smul.u32 @!p0 $0xF7A, s2;
	p2 =	seq.s32 @!p0 s5, $0x0  }
0x1f: {  	s9 =	smul.u32 $0xF7A, s1;
	s8 =	simm.s32 @!p0 $0x1BF5;
	p2 =	por !p2, p0  }
0x20: {  	[sflag:s8] =	ssyncset.s32 @!p0 $0xFFFFF086;
	s6 =	sadd.s32 @!p0 s3, s7;
	s7 =	simm.s32 @!p0 $0x108  }
0x21: {  	s3 =	sadd.s32 s3, s9;
	s6 =	sadd.s32 @!p0 $0x88, s6;
	s7 =	simm.s32 @p2 $0x1082  }
0x22: {  	[simem:s7], [sflag:s8] =	dma.local @!p0 [hbm:s6], $0xF7A  }
0x23: {  	s9 =	sor.u32 $0xD0000000, s2;
	s6 =	simm.s32 $0x108;
	_ =	swait.ge @!p0 [sflag:s8], $0x0  }
0x24: {  	s3 =	sadd.s32 $0x88, s3;
	s6 =	simm.s32 @!p1 $0x1082;
	[sflag:s4] =	ssyncset.s32 $0xFFFFF086  }
0x25: {  	[simem:s6], [sflag:s4] =	dma.local [hbm:s3], $0xF7A  }
0x26: {  	[smem:$0x3F9D] =	sst s1;
	(tag) =	ssettag s2;
	_ =	strace s9  }
0x27: {  	s1 =	sld [smem:$0x3FAD]  }
0x28: {  	s2 =	sld [smem:$0x3FAE]  }
0x29: {  	s4 =	sld [smem:$0x3FB0]  }
0x2a: {  	p0 =	seq.s32 s5, $0x0;
	s5 =	sld [smem:$0x3FB1]  }
0x2b: {  	s6 =	sld [smem:$0x3FB2]  }
0x2c: {  	s7 =	sld [smem:$0x3FB3]  }
0x2d: {  	s3 =	simm.s32 $0x108;
	s8 =	sld [smem:$0x3FB4]  }
0x2e: {  	s3 =	simm.s32 @!p0 $0x1082;
	s9 =	sld [smem:$0x3FB5]  }
0x2f: {  	lr =	sadd.s32 s0, s3;
	s0 =	sld [smem:$0x3FAC]  }
0x30: {  	s3 =	sld [smem:$0x3FAF]  }
0x31: {  	[smem:$0x3FB8] =	sst s10  }
0x32: {  	s10 =	sld [smem:$0x3FB6];
	_ =	sdelay $0x3  }
0x33: {  	p0 =	seq.s32 s10, $0x1;
	s10 =	sld [smem:$0x3FB8];
	_ =	sdelay $0x3  }
0x34: {  	[smem:$0x3FB8] =	sst s10  }
0x35: {  	s10 =	sld [smem:$0x3FB7];
	_ =	sdelay $0x3  }
0x36: {  	p1 =	seq.s32 s10, $0x1;
	s10 =	sld [smem:$0x3FB8];
	_ =	sdelay $0x3  }
0x37: {  	[smem:$0x3FB8] =	sst s10  }
0x38: {  	s10 =	sld [smem:$0x3FB9]  }
0x39: {  	_ = 	snop;
	(pc) =	sbr.ind lr, $3  }
0x3a: {  	_ = 	snop  }
0x3b: {  	_ = 	snop  }
0x3c: {  	p2 =	seq.s32 s10, $0x1;
	s10 =	sld [smem:$0x3FB8]  }
0x3d: {  	_ =	shalt  }
0x3e: {  	_ =	shalt  }
0x3f: {  	_ =	shalt  }
0x40: {  	_ =	shalt  }
0x41: {  	_ =	shalt  }
0x42: {  	_ =	shalt  }
0x43: {  	_ =	shalt  }
0x44: {  	_ =	shalt  }
0x45: {  	_ =	shalt  }
0x46: {  	_ =	shalt  }
0x47: {  	_ =	shalt  }
0x48: {  	_ =	shalt  }
0x49: {  	_ =	shalt  }
0x4a: {  	_ =	shalt  }
0x4b: {  	_ =	shalt  }
0x4c: {  	_ =	shalt  }
0x4d: {  	_ =	shalt  }
0x4e: {  	_ =	shalt  }
0x4f: {  	_ =	shalt  }
0x50: {  	_ =	shalt  }
0x51: {  	_ =	shalt  }
0x52: {  	_ =	shalt  }
0x53: {  	_ =	shalt  }
0x54: {  	_ =	shalt  }
0x55: {  	_ =	shalt  }
0x56: {  	_ =	shalt  }
0x57: {  	_ =	shalt  }
0x58: {  	_ =	shalt  }
0x59: {  	_ =	shalt  }
0x5a: {  	_ =	shalt  }
0x5b: {  	_ =	shalt  }
0x5c: {  	_ =	shalt  }
0x5d: {  	_ =	shalt  }
0x5e: {  	_ =	shalt  }
0x5f: {  	_ =	shalt  }
0x60: {  	_ =	shalt  }
0x61: {  	_ =	shalt  }
0x62: {  	_ =	shalt  }
0x63: {  	_ =	shalt  }
0x64: {  	_ =	shalt  }
0x65: {  	_ =	shalt  }
0x66: {  	_ =	shalt  }
0x67: {  	_ =	shalt  }
0x68: {  	_ =	shalt  }
0x69: {  	_ =	shalt  }
0x6a: {  	_ =	shalt  }
0x6b: {  	_ =	shalt  }
0x6c: {  	_ =	shalt  }
0x6d: {  	_ =	shalt  }
0x6e: {  	_ =	shalt  }
0x6f: {  	_ =	shalt  }
0x70: {  	_ =	shalt  }
0x71: {  	_ =	shalt  }
0x72: {  	_ =	shalt  }
0x73: {  	_ =	shalt  }
0x74: {  	_ =	shalt  }
0x75: {  	_ =	shalt  }
0x76: {  	_ =	shalt  }
0x77: {  	_ =	shalt  }
0x78: {  	_ =	shalt  }
0x79: {  	_ =	shalt  }
0x7a: {  	_ =	shalt  }
0x7b: {  	_ =	shalt  }
0x7c: {  	_ =	shalt  }
0x7d: {  	_ =	shalt  }
0x7e: {  	_ =	shalt  }
0x7f: {  	_ =	shalt  }
0x80: {  	_ =	shalt  }
0x81: {  	_ =	shalt  }
0x82: {  	_ =	shalt  }
0x83: {  	_ =	shalt  }
0x84: {  	_ =	shalt  }
0x85: {  	_ =	shalt  }
0x86: {  	_ =	shalt  }
0x87: {  	_ =	shalt  }
.Lfunc_end0:
.L_simem_size_0:
called_computation.2_lowered:
.L_overlay_start_0:
0x88: {  	s2 =	sld [smem:$0x3FD9]  }
0x89: {  	s3 =	sld [smem:$0x3FFE];
	_ =	sdelay $0x1  }
0x8a: {  	s1 =	srdreg.scid  }
0x8b: {  	s0 =	sand.u32 $0x1, s1  }
0x8c: {  	s17 =	sshll.u32 s0, $0xA;
	s2 =	sadd.s32 s3, s2  }
0x8d: {  	s2 =	sadd.s32 s2, s17  }
0x8e: {  	[smem:$0x3FC4] =	sst s2  }
0x8f: {  	_ = 	snop  }
0x90: {  	s2 =	sld [smem:$0x3FD0];
	(tm) =	ssettm $0x1  }
0x91: {  	s18 =	sld [smem:$0x3FFB];
	_ =	sdelay $0x3  }
0x92: {  	_ =	strace s18  }
0x93: {  	s3 =	sld [smem:$0x3FFC];
	_ =	sdelay $0x3  }
0x94: {  	_ =	strace s3  }
0x95: {  	s3 =	sld [smem:$0x3FFD];
	_ =	sdelay $0x3  }
0x96: {  	_ =	strace s3  }
0x97: {  	_ =	strace $0x8FFFFFFF  }
0x98: {  	s19 =	sld [smem:$0x3FDB];
	_ =	sdelay $0x1  }
0x99: {  	s4 =	simm.s32 $_scs_section_size  }
0x9a: {  	s5 =	simm.s32 $_size__tile_overlayer_lowered;
	s6 =	simm.s32 $_tile_overlayer_lowered  }
0x9b: {  	s22 =	simm.s32 $0x1BFF;
	s21 =	sshll.u32 s6, $0x1;
	s3 =	sadd.s32 s4, s19  }
0x9c: {  	s7 =	simm.s32 $0x0;
	s20 =	sshll.u32 s5, $0x1;
	s5 =	sadd.s32 s21, s3  }
0x9d: {  	[timem:s7], [sflag:s22] =	dma.local [hbm:s5], s20  }
0x9e: {  	_ =	swait.ge [sflag:s22], s20  }
0x9f: {  	s4 =	ssub.s32 $0x0, s20;
	[sflag:s22] =	ssyncset.done $0x0  }
0xa0: {  	[sflag:s22] =	ssyncadd.s32 s4;
	_ =	sdelay $0x1  }
0xa1: {  	s23 =	simm.s32 $0x1B8B  }
0xa2: {  	_ =	swait.ge [sflag:s23], $0x1  }
0xa3: {  	[sflag:s23] =	ssyncset.done $0x0  }
0xa4: {  	s25 =	simm.s32 $0x1B8E;
	s24 =	sld [smem:$0x3FFE];
	[sflag:s23] =	ssyncadd.s32 $0xFFFFFFFF  }
0xa5: {  	s26 =	simm.s32 $execute0_lowered;
	[smem:$0x3FD2] =	sst s25  }
0xa6: {  	s5 =	sshll.u32 s26, $0x1;
	_ =	strace $0x8000004C;
	[dreg:$0x1] =	wrdreg $0xFFFFFFFF  }
0xa7: {  	s28 =	simm.s32 $_size_execute0_lowered;
	s3 =	sadd.s32 s3, s5;
	[dreg:$0x0] =	wrdreg $0x0  }
0xa8: {  	s5 =	sshll.u32 s28, $0x1;
	[dreg:$0x2] =	wrdreg s3  }
0xa9: {  	[dreg:$0x3] =	wrdreg s5  }
0xaa: {  	[dreg:$0x4] =	wrdreg $0xC0  }
0xab: {  	_ =	task [dreg:s7], $0x5FFFF  }
0xac: {  	[dreg:$0x1] =	wrdreg $0xFFFFFFFF  }
0xad: {  	[dreg:$0x0] =	wrdreg $0x60  }
0xae: {  	[dreg:$0x2] =	wrdreg s2  }
0xaf: {  	[dreg:$0x3] =	wrdreg s24  }
0xb0: {  	[dreg:$0x4] =	wrdreg $0x41000  }
0xb1: {  	[dreg:$0x5] =	wrdreg $0x9  }
0xb2: {  	_ =	task.clear_ibuf [dreg:s7], $0x6FFFF;
	_ =	strace $0x9000004C  }
0xb3: {  	s29 =	simm.s32 $0x9;
	_ =	strace $0x8000004E  }
0xb4: {  	_ =	swait.ge [sflag:s29], $0x1  }
0xb5: {  	[sflag:s29] =	ssyncadd.s32 $0xFFFFFFFF  }
0xb6: {  	_ =	strace $0x9000004E  }
0xb7: {  	_ =	sfence  }
0xb8: {  	s30 =	sld [smem:$0x0];
	_ =	sdelay $0x2  }
0xb9: {  	s31 =	sshll.u32 s1, $0xD;
	s1 =	sshrl.u32 s1, $0x2  }
0xba: {  	s3 =	sand.u32 $0x4000, s31;
	s1 =	sadd.s32 s1, s30  }
0xbb: {  	s0 =	sor.u32 s3, s0;
	s1 =	sshll.u32 s1, $0x11  }
0xbc: {  	s0 =	sor.u32 s1, s0  }
0xbd: {  	s0 =	sadd.s32 $0x8F2B, s0  }
0xbe: {  	[sflag:s0] =	ssyncadd.remote.s32 $0x1  }
0xbf: {  	_ =	sfence.sel $0xFFFF  }
0xc0: {  	[dreg:$0x0] =	wrdreg $0xFFFFFFFF;
	(pc) =	sbr.abs _section_cstart, $3  }
0xc1: {  	[dreg:$0x1] =	wrdreg $0xFFFFFFFF  }
0xc2: {  	_ =	task.clear_ibuf [dreg:s7], $0x2FFFF;
	_ =	strace $0x9FFFFFFF  }
0xc3: {  	(tm) =	ssettm $0x7FFFFFFF  }
tec
execute0_lowered:
.L_overlay_start_1:
0x0: {  	(tag) =	ssettag $0x1  }
0x1: {  	s2 =	rddreg [dreg:$0x0]  }
0x2: {  	s0 =	rddreg [dreg:$0x1]  }
0x3: {  	s3 =	rddreg [dreg:$0x2];
	s1 =	stileid.u32  }
0x4: {  	s4 =	simm.s32 $0x0;
	s6 =	srdreg.scid;
	s5 =	smul.u32 $0x9E0, s1  }
0x5: {  	s22 =	simm.s32 $0x100;
	[smem:$0x7FF] =	sst s4;
	s7 =	smul.u32 $0x50000, s1  }
0x6: {  	s14 =	sand.u32 $0x1, s6;
	s11 =	smul.u32 $0x14000, s1;
	s24 =	sshll.u32 s1, $0x6  }
0x7: {  	_ =	strace $0x8000004D;
	s6 =	ssub.s32 $0x2, s14;
	s19 =	smul.u32 $0x140000, s14  }
0x8: {  	s28 =	smul.u32 $0x4F0, s14;
	s16 =	sadd.s32 s5, s0;
	s5 =	sadd.s32 $0xC600, s0  }
0x9: {  	s0 =	sadd.s32 $0x66C00, s0;
	s8 =	sshrl.u32 s6, $0x1;
	s23 =	sshrl.u32 s7, $0x2  }
0xa: {  	s7 =	sor.u32 $0x1C02, s24;
	s12 =	sadd.s32 $0x4000, s11;
	s15 =	sadd.s32 $0x8000, s11  }
0xb: {  	s18 =	sadd.s32 $0xC000, s11;
	s20 =	sadd.s32 $0x10000, s11;
	s24 =	simm.s32 $0x0  }
0xc: {  	s17 =	ssub.s32 s6, s8;
	s25 =	sadd.s32 s23, s3;
	s26 =	sadd.s32 s12, s3  }
0xd: {  	s9 =	sadd.s32 s15, s3;
	s10 =	sadd.s32 s18, s3;
	s13 =	sadd.s32 s11, s19  }
0xe: {  	s12 =	sadd.s32 s19, s12;
	s11 =	sadd.s32 s20, s3;
	s15 =	sadd.s32 s19, s15  }
0xf: {  	s18 =	sadd.s32 s19, s18;
	s30 =	sadd.s32 s19, s20;
	s31 =	sadd.s32 s28, s16  }
0x10: {  	s20 =	simm.s32 $0x2;
	s23 =	simm.s32 $0x1;
	[dreg:$0x4] =	wrdreg s25  }
0x11: {  	[dreg:$0x5] =	wrdreg s26;
	s13 =	sshrl.u32 s13, $0x3;
	s21 =	sshrl.u32 s12, $0x3  }
0x12: {  	s15 =	sshrl.u32 s15, $0x3;
	s29 =	sshrl.u32 s18, $0x3;
	s18 =	sshrl.u32 s30, $0x3  }
0x13: {  	s17 =	smax.u32 s17, $0x1;
	s19 =	sadd.s32 $0x5CE00, s31;
	s12 =	sadd.s32 s0, s13  }
0x14: {  	s13 =	sadd.s32 s0, s21;
	s14 =	sadd.s32 s0, s15;
	s15 =	sadd.s32 s0, s29  }
0x15: {  	s16 =	sadd.s32 s0, s18;
	s18 =	sadd.s32 $0x2800, s31;
	s21 =	simm.s32 $0x80  }
.LBB2_1:
0x16: {  	s0 =	rddreg [dreg:$0x4]  }
0x17: {  	s25 =	sshrl.u32 s0, $0x3  }
0x18: {  	[spmem:s25], [sflag:s7] =	dma.local [hbm:s5], $0x800  }
0x19: {  	_ =	swait.ge [sflag:s20], $0x800  }
0x1a: {  	[sflag:s20] =	ssyncset.done $0x0;
	s1 =	rddreg [dreg:$0x5]  }
0x1b: {  	[sflag:s20] =	ssyncadd.s32 $0xFFFFF800;
	s26 =	sshrl.u32 s1, $0x3  }
0x1c: {  	[spmem:s26], [sflag:s7] =	dma.local [hbm:s5], $0x800  }
0x1d: {  	_ =	swait.ge [sflag:s20], $0x800  }
0x1e: {  	[sflag:s20] =	ssyncset.done $0x0  }
0x1f: {  	s28 =	sshrl.u32 s9, $0x3;
	[sflag:s20] =	ssyncadd.s32 $0xFFFFF800  }
0x20: {  	[spmem:s28], [sflag:s7] =	dma.local [hbm:s5], $0x800  }
0x21: {  	_ =	swait.ge [sflag:s20], $0x800  }
0x22: {  	[sflag:s20] =	ssyncset.done $0x0  }
0x23: {  	s29 =	sshrl.u32 s10, $0x3;
	[sflag:s20] =	ssyncadd.s32 $0xFFFFF800  }
0x24: {  	[spmem:s29], [sflag:s7] =	dma.local [hbm:s5], $0x800  }
0x25: {  	_ =	swait.ge [sflag:s20], $0x800  }
0x26: {  	[sflag:s20] =	ssyncset.done $0x0  }
0x27: {  	s30 =	sshrl.u32 s11, $0x3;
	[sflag:s20] =	ssyncadd.s32 $0xFFFFF800  }
0x28: {  	[spmem:s30], [sflag:s7] =	dma.local [hbm:s5], $0x800  }
0x29: {  	_ =	swait.ge [sflag:s20], $0x800  }
0x2a: {  	[sflag:s20] =	ssyncset.done $0x0  }
0x2b: {  	[sflag:s20] =	ssyncadd.s32 $0xFFFFF800  }
0x2c: {  	s6 =	sadd.s32 $0x0, s19;
	[bflag:$0x0] =	sbarrier.arrive $0xFFFF  }
0x2d: {  	[tilespmem:s4], [sflag:$0x2] =	stream.linear.gather [hbm4b:s6+s4], $0x80, $0x38;
	[tilespmem:$0x18100] =	vst v63  }
0x2e: {  	_ =	swait.ge [sflag:s20], $0x80  }
0x2f: {  	[sflag:s20] =	ssyncset.done $0x0  }
0x30: {  	[sflag:s20] =	ssyncadd.s32 $0xFFFFFF80  }
0x31: {  	[tilespmem:s22], [sflag:$0x1] =	stream.indirect.gather [hbm4b:s2+s21], $0x80, s4, s21, $0xb8;
	[tilespmem:$0x18100] =	vst v63  }
0x32: {  	_ =	swait.ge [sflag:s23], $0x4000  }
0x33: {  	[sflag:s23] =	ssyncset.done $0x0  }
0x34: {  	s8 =	sadd.s32 $0x0, s18;
	[sflag:s23] =	ssyncadd.s32 $0xFFFFC000  }
0x35: {  	[tilespmem:s21], [sflag:$0x2] =	stream.linear.gather [hbm4b:s8+s4], $0x80, $0x38;
	[tilespmem:$0x18100] =	vst v63  }
0x36: {  	_ =	swait.ge [sflag:s20], $0x80  }
0x37: {  	[sflag:s20] =	ssyncset.done $0x0  }
0x38: {  	[sflag:s20] =	ssyncadd.s32 $0xFFFFFF80  }
0x39: {  	[spmem:s3] =	stream.indirect.scatter.add.f32 [tilespmem:s22], [sflag:$0x2], $0x80, s21, s21, $0xb8;
	[tilespmem:$0x18100] =	vst v63  }
0x3a: {  	_ =	swait.ge [sflag:s20], $0x4000  }
0x3b: {  	s31 =	simm.s32 $0x10;
	s0 =	simm.s32 $0x20;
	[sflag:s20] =	ssyncset.done $0x0  }
.LBB2_2:
0x3c: {  	s1 =	sadd.s32 s31, s19  }
0x3d: {  	[sflag:s20] =	ssyncadd.s32 $0xFFFFC000;
	s6 =	smov.u32 s0;
	s8 =	sadd.s32 $0x10, s0  }
0x3e: {  	[tilespmem:s4], [sflag:$0x2] =	stream.linear.gather [hbm4b:s1+s4], $0x80, $0x38;
	[tilespmem:$0x18100] =	vst v63  }
0x3f: {  	p0 =	sne.s32 s0, $0x4E0;
	_ =	swait.ge [sflag:s20], $0x80  }
0x40: {  	[sflag:s20] =	ssyncset.done $0x0  }
0x41: {  	[sflag:s20] =	ssyncadd.s32 $0xFFFFFF80  }
0x42: {  	[tilespmem:s22], [sflag:$0x1] =	stream.indirect.gather [hbm4b:s2+s21], $0x80, s4, s21, $0xb8;
	[tilespmem:$0x18100] =	vst v63  }
0x43: {  	_ =	swait.ge [sflag:s23], $0x4000  }
0x44: {  	[sflag:s23] =	ssyncset.done $0x0  }
0x45: {  	s0 =	sadd.s32 s31, s18;
	s31 =	smov.u32 s6;
	[sflag:s23] =	ssyncadd.s32 $0xFFFFC000  }
0x46: {  	[tilespmem:s21], [sflag:$0x2] =	stream.linear.gather [hbm4b:s0+s4], $0x80, $0x38;
	[tilespmem:$0x18100] =	vst v63  }
0x47: {  	_ =	swait.ge [sflag:s20], $0x80  }
.Ltmp0:
0x48: {  	[sflag:s20] =	ssyncset.done $0x0;
	(pc) =	sbr.rel @p0 .LBB2_2-.Ltmp0, $4  }
0x49: {  	[sflag:s20] =	ssyncadd.s32 $0xFFFFFF80  }
0x4a: {  	[spmem:s3] =	stream.indirect.scatter.add.f32 [tilespmem:s22], [sflag:$0x2], $0x80, s21, s21, $0xb8;
	[tilespmem:$0x18100] =	vst v63  }
0x4b: {  	_ =	swait.ge [sflag:s20], $0x4000  }
0x4c: {  	s0 =	smov.u32 s8;
	[sflag:s20] =	ssyncset.done $0x0  }
0x4d: {  	s0 =	sadd.s32 s31, s19;
	[sflag:s20] =	ssyncadd.s32 $0xFFFFC000  }
0x4e: {  	[tilespmem:s4], [sflag:$0x2] =	stream.linear.gather [hbm4b:s0+s4], $0x80, $0x38;
	[tilespmem:$0x18100] =	vst v63  }
0x4f: {  	_ =	swait.ge [sflag:s20], $0x80  }
0x50: {  	[sflag:s20] =	ssyncset.done $0x0  }
0x51: {  	[sflag:s20] =	ssyncadd.s32 $0xFFFFFF80  }
0x52: {  	[tilespmem:s22], [sflag:$0x1] =	stream.indirect.gather [hbm4b:s2+s21], $0x80, s4, s21, $0xb8;
	[tilespmem:$0x18100] =	vst v63  }
0x53: {  	_ =	swait.ge [sflag:s23], $0x4000  }
0x54: {  	[sflag:s23] =	ssyncset.done $0x0  }
0x55: {  	s31 =	sadd.s32 s31, s18;
	[sflag:s23] =	ssyncadd.s32 $0xFFFFC000  }
0x56: {  	[tilespmem:s21], [sflag:$0x2] =	stream.linear.gather [hbm4b:s31+s4], $0x80, $0x38;
	[tilespmem:$0x18100] =	vst v63  }
0x57: {  	_ =	swait.ge [sflag:s20], $0x80  }
0x58: {  	[sflag:s20] =	ssyncset.done $0x0  }
0x59: {  	[sflag:s20] =	ssyncadd.s32 $0xFFFFFF80  }
0x5a: {  	[spmem:s3] =	stream.indirect.scatter.add.f32 [tilespmem:s22], [sflag:$0x2], $0x80, s21, s21, $0xb8;
	[tilespmem:$0x18100] =	vst v63  }
0x5b: {  	_ =	swait.ge [sflag:s20], $0x4000  }
0x5c: {  	[sflag:s20] =	ssyncset.done $0x0  }
0x5d: {  	[sflag:s20] =	ssyncadd.s32 $0xFFFFC000  }
0x5e: {  	[bflag:$0x0] =	sbarrier.arrive $0xFFFF  }
0x5f: {  	[hbm:s12], [sflag:s7] =	dma.local [spmem:s25], $0x800  }
0x60: {  	_ =	swait.ge [sflag:s20], $0x800  }
0x61: {  	[sflag:s20] =	ssyncset.done $0x0  }
0x62: {  	[sflag:s20] =	ssyncadd.s32 $0xFFFFF800  }
0x63: {  	[hbm:s13], [sflag:s7] =	dma.local [spmem:s26], $0x800  }
0x64: {  	_ =	swait.ge [sflag:s20], $0x800  }
0x65: {  	[sflag:s20] =	ssyncset.done $0x0  }
0x66: {  	[sflag:s20] =	ssyncadd.s32 $0xFFFFF800  }
0x67: {  	[hbm:s14], [sflag:s7] =	dma.local [spmem:s28], $0x800  }
0x68: {  	_ =	swait.ge [sflag:s20], $0x800  }
0x69: {  	[sflag:s20] =	ssyncset.done $0x0  }
0x6a: {  	[sflag:s20] =	ssyncadd.s32 $0xFFFFF800  }
0x6b: {  	[hbm:s15], [sflag:s7] =	dma.local [spmem:s29], $0x800  }
0x6c: {  	s24 =	sadd.s32 $0x1, s24;
	_ =	swait.ge [sflag:s20], $0x800  }
0x6d: {  	p0 =	sne.s32 s24, s17;
	[sflag:s20] =	ssyncset.done $0x0  }
.Ltmp1:
0x6e: {  	[sflag:s20] =	ssyncadd.s32 $0xFFFFF800;
	(pc) =	sbr.rel @p0 .LBB2_1-.Ltmp1, $4  }
0x6f: {  	[hbm:s16], [sflag:s7] =	dma.local [spmem:s30], $0x800  }
0x70: {  	_ =	swait.ge [sflag:s20], $0x800  }
0x71: {  	[sflag:s20] =	ssyncset.done $0x0  }
0x72: {  	[sflag:s20] =	ssyncadd.s32 $0xFFFFF800  }
0x73: {  	_ =	sfence.sel $0x180000  }
0x74: {  	[bflag:$0x0] =	sbarrier.arrive $0xFFFF  }
0x75: {  	_ =	strace $0x9000004D  }
0x76: {  	s0 =	stileid.u32;
	[bflag:$0x2] =	sbarrier.arrive $0xFFFF  }
0x77: {  	p0 =	sne.s32 s0, $0x0;
	s0 =	rddreg [dreg:$0x3]  }
0x78: {  	s0 =	sadd.s32 @!p0 $0x100000, s0  }
0x79: {  	[sflag:s0] =	ssyncadd.tile.s32 @!p0 $0x1;
	_ =	shalt  }
.Lfunc_end2:
_tile_overlayer_lowered:
.L_overlay_start_2:
0x7a: {  	(tag) =	ssettag $0x2  }
0x7b: {  	s0 =	rddreg [dreg:$0x0];
	s2 =	stileid.u32  }
0x7c: {  	s1 =	rddreg [dreg:$0x1];
	p0 =	sne.s32 s2, $0x0  }
0x7d: {  	s3 =	rddreg [dreg:$0x2];
	[bflag:$0x3] =	sbarrier.arrive $0xFFFF;
	s2 =	simm.s32 @!p0 $0x1C02  }
0x7e: {  	[timem:s3], [sflag:s2] =	dma.local @!p0 [hbm:s0], s1  }
0x7f: {  	s0 =	simm.s32 @!p0 $0x2  }
0x80: {  	_ =	swait.ge @!p0 [sflag:s0], s1  }
0x81: {  	s1 =	ssub.s32 @!p0 $0x0, s1;
	[sflag:s0] =	ssyncset.done @!p0 $0x0  }
0x82: {  	[sflag:s0] =	ssyncadd.s32 @!p0 s1  }
0x83: {  	[bflag:$0x3] =	sbarrier.arrive $0xFFFF  }
0x84: {  	_ =	shalt  }

// kernel: kernel.8.cloned.1.call-start
scs
__scs_entry_jumppad:
0x0: {  	(pc) =	sbr.rel $0x88, $3  }
0x1: {  	(tag) =	ssettag $0x0;
	lr =	simm.s32 $0x1  }
0x2: {  	[smem:$0x3F9D] =	sst lr;
	_ =	strace $0xD0000000  }
0x3: {  	_ = 	snop  }
0x4: {  	_ = 	snop  }
0x5: {  	_ = 	snop  }
0x6: {  	_ = 	snop  }
0x7: {  	_ = 	snop  }
__scs_overlays_trampoline_lowered:
0x8: {  	[smem:$0x3FAC] =	sst s0  }
0x9: {  	[smem:$0x3FAD] =	sst s1  }
0xa: {  	[smem:$0x3FAE] =	sst s2  }
0xb: {  	[smem:$0x3FAF] =	sst s3  }
0xc: {  	[smem:$0x3FB0] =	sst s4  }
0xd: {  	[smem:$0x3FB1] =	sst s5  }
0xe: {  	[smem:$0x3FB2] =	sst s6  }
0xf: {  	[smem:$0x3FB3] =	sst s7  }
0x10: {  	[smem:$0x3FB4] =	sst s8  }
0x11: {  	[smem:$0x3FB5] =	sst s9;
	s0 =	simm.s32 @!p0 $0x0  }
0x12: {  	s1 =	sld [smem:$0x3F9B];
	s0 =	simm.s32 @p0 $0x1  }
0x13: {  	[smem:$0x3FB6] =	sst s0;
	s0 =	simm.s32 @!p1 $0x0  }
0x14: {  	s2 =	sld [smem:$0x3F9A];
	s0 =	simm.s32 @p1 $0x1  }
0x15: {  	[smem:$0x3FB7] =	sst s0;
	s0 =	simm.s32 @!p2 $0x0  }
0x16: {  	s3 =	sld [smem:$0x3FDB];
	s0 =	simm.s32 @p2 $0x1  }
0x17: {  	s4 =	simm.s32 $0x1BF5;
	[smem:$0x3FB9] =	sst s0  }
0x18: {  	s0 =	sld [smem:$0x3F9C];
	_ =	swait.ge [sflag:s4], $0x0  }
0x19: {  	s7 =	sld [smem:$0x3F9D]  }
0x1a: {  	s8 =	sadd.s32 $0xFFFFE003, lr  }
0x1b: {  	s9 =	sadd.s32 $0xFFFFFEF7, lr;
	s5 =	simm.s32 $0xFFFFFFFF;
	p2 =	slt.u32 s8, $0xFFFFF086  }
0x1c: {  	p1 =	slt.u32 s9, $0xF7A;
	s5 =	simm.s32 @!p2 $0x0  }
0x1d: {  	s5 =	simm.s32 @p1 $0x1;
	p0 =	seq.s32 s7, s2  }
0x1e: {  	s7 =	smul.u32 @!p0 $0xF7A, s2;
	p2 =	seq.s32 @!p0 s5, $0x0  }
0x1f: {  	s9 =	smul.u32 $0xF7A, s1;
	s8 =	simm.s32 @!p0 $0x1BF5;
	p2 =	por !p2, p0  }
0x20: {  	[sflag:s8] =	ssyncset.s32 @!p0 $0xFFFFF086;
	s6 =	sadd.s32 @!p0 s3, s7;
	s7 =	simm.s32 @!p0 $0x108  }
0x21: {  	s3 =	sadd.s32 s3, s9;
	s6 =	sadd.s32 @!p0 $0x88, s6;
	s7 =	simm.s32 @p2 $0x1082  }
0x22: {  	[simem:s7], [sflag:s8] =	dma.local @!p0 [hbm:s6], $0xF7A  }
0x23: {  	s9 =	sor.u32 $0xD0000000, s2;
	s6 =	simm.s32 $0x108;
	_ =	swait.ge @!p0 [sflag:s8], $0x0  }
0x24: {  	s3 =	sadd.s32 $0x88, s3;
	s6 =	simm.s32 @!p1 $0x1082;
	[sflag:s4] =	ssyncset.s32 $0xFFFFF086  }
0x25: {  	[simem:s6], [sflag:s4] =	dma.local [hbm:s3], $0xF7A  }
0x26: {  	[smem:$0x3F9D] =	sst s1;
	(tag) =	ssettag s2;
	_ =	strace s9  }
0x27: {  	s1 =	sld [smem:$0x3FAD]  }
0x28: {  	s2 =	sld [smem:$0x3FAE]  }
0x29: {  	s4 =	sld [smem:$0x3FB0]  }
0x2a: {  	p0 =	seq.s32 s5, $0x0;
	s5 =	sld [smem:$0x3FB1]  }
0x2b: {  	s6 =	sld [smem:$0x3FB2]  }
0x2c: {  	s7 =	sld [smem:$0x3FB3]  }
0x2d: {  	s3 =	simm.s32 $0x108;
	s8 =	sld [smem:$0x3FB4]  }
0x2e: {  	s3 =	simm.s32 @!p0 $0x1082;
	s9 =	sld [smem:$0x3FB5]  }
0x2f: {  	lr =	sadd.s32 s0, s3;
	s0 =	sld [smem:$0x3FAC]  }
0x30: {  	s3 =	sld [smem:$0x3FAF]  }
0x31: {  	[smem:$0x3FB8] =	sst s10  }
0x32: {  	s10 =	sld [smem:$0x3FB6];
	_ =	sdelay $0x3  }
0x33: {  	p0 =	seq.s32 s10, $0x1;
	s10 =	sld [smem:$0x3FB8];
	_ =	sdelay $0x3  }
0x34: {  	[smem:$0x3FB8] =	sst s10  }
0x35: {  	s10 =	sld [smem:$0x3FB7];
	_ =	sdelay $0x3  }
0x36: {  	p1 =	seq.s32 s10, $0x1;
	s10 =	sld [smem:$0x3FB8];
	_ =	sdelay $0x3  }
0x37: {  	[smem:$0x3FB8] =	sst s10  }
0x38: {  	s10 =	sld [smem:$0x3FB9]  }
0x39: {  	_ = 	snop;
	(pc) =	sbr.ind lr, $3  }
0x3a: {  	_ = 	snop  }
0x3b: {  	_ = 	snop  }
0x3c: {  	p2 =	seq.s32 s10, $0x1;
	s10 =	sld [smem:$0x3FB8]  }
0x3d: {  	_ =	shalt  }
0x3e: {  	_ =	shalt  }
0x3f: {  	_ =	shalt  }
0x40: {  	_ =	shalt  }
0x41: {  	_ =	shalt  }
0x42: {  	_ =	shalt  }
0x43: {  	_ =	shalt  }
0x44: {  	_ =	shalt  }
0x45: {  	_ =	shalt  }
0x46: {  	_ =	shalt  }
0x47: {  	_ =	shalt  }
0x48: {  	_ =	shalt  }
0x49: {  	_ =	shalt  }
0x4a: {  	_ =	shalt  }
0x4b: {  	_ =	shalt  }
0x4c: {  	_ =	shalt  }
0x4d: {  	_ =	shalt  }
0x4e: {  	_ =	shalt  }
0x4f: {  	_ =	shalt  }
0x50: {  	_ =	shalt  }
0x51: {  	_ =	shalt  }
0x52: {  	_ =	shalt  }
0x53: {  	_ =	shalt  }
0x54: {  	_ =	shalt  }
0x55: {  	_ =	shalt  }
0x56: {  	_ =	shalt  }
0x57: {  	_ =	shalt  }
0x58: {  	_ =	shalt  }
0x59: {  	_ =	shalt  }
0x5a: {  	_ =	shalt  }
0x5b: {  	_ =	shalt  }
0x5c: {  	_ =	shalt  }
0x5d: {  	_ =	shalt  }
0x5e: {  	_ =	shalt  }
0x5f: {  	_ =	shalt  }
0x60: {  	_ =	shalt  }
0x61: {  	_ =	shalt  }
0x62: {  	_ =	shalt  }
0x63: {  	_ =	shalt  }
0x64: {  	_ =	shalt  }
0x65: {  	_ =	shalt  }
0x66: {  	_ =	shalt  }
0x67: {  	_ =	shalt  }
0x68: {  	_ =	shalt  }
0x69: {  	_ =	shalt  }
0x6a: {  	_ =	shalt  }
0x6b: {  	_ =	shalt  }
0x6c: {  	_ =	shalt  }
0x6d: {  	_ =	shalt  }
0x6e: {  	_ =	shalt  }
0x6f: {  	_ =	shalt  }
0x70: {  	_ =	shalt  }
0x71: {  	_ =	shalt  }
0x72: {  	_ =	shalt  }
0x73: {  	_ =	shalt  }
0x74: {  	_ =	shalt  }
0x75: {  	_ =	shalt  }
0x76: {  	_ =	shalt  }
0x77: {  	_ =	shalt  }
0x78: {  	_ =	shalt  }
0x79: {  	_ =	shalt  }
0x7a: {  	_ =	shalt  }
0x7b: {  	_ =	shalt  }
0x7c: {  	_ =	shalt  }
0x7d: {  	_ =	shalt  }
0x7e: {  	_ =	shalt  }
0x7f: {  	_ =	shalt  }
0x80: {  	_ =	shalt  }
0x81: {  	_ =	shalt  }
0x82: {  	_ =	shalt  }
0x83: {  	_ =	shalt  }
0x84: {  	_ =	shalt  }
0x85: {  	_ =	shalt  }
0x86: {  	_ =	shalt  }
0x87: {  	_ =	shalt  }
.Lfunc_end0:
.L_simem_size_0:
called_computation_lowered:
.L_overlay_start_0:
0x88: {  	s2 =	sld [smem:$0x3FD9]  }
0x89: {  	s3 =	sld [smem:$0x3FFE];
	_ =	sdelay $0x1  }
0x8a: {  	s1 =	srdreg.scid  }
0x8b: {  	s0 =	sand.u32 $0x1, s1  }
0x8c: {  	s17 =	sshll.u32 s0, $0xA;
	s2 =	sadd.s32 s3, s2  }
0x8d: {  	s2 =	sadd.s32 s2, s17  }
0x8e: {  	[smem:$0x3FC4] =	sst s2  }
0x8f: {  	_ = 	snop  }
0x90: {  	s2 =	sld [smem:$0x3FD0];
	(tm) =	ssettm $0x1  }
0x91: {  	s18 =	sld [smem:$0x3FFB];
	_ =	sdelay $0x3  }
0x92: {  	_ =	strace s18  }
0x93: {  	s3 =	sld [smem:$0x3FFC];
	_ =	sdelay $0x3  }
0x94: {  	_ =	strace s3  }
0x95: {  	s3 =	sld [smem:$0x3FFD];
	_ =	sdelay $0x3  }
0x96: {  	_ =	strace s3  }
0x97: {  	_ =	strace $0x8FFFFFFF  }
0x98: {  	s19 =	sld [smem:$0x3FDB];
	_ =	sdelay $0x1  }
0x99: {  	s4 =	simm.s32 $_scs_section_size  }
0x9a: {  	s5 =	simm.s32 $_size__tile_overlayer_lowered;
	s6 =	simm.s32 $_tile_overlayer_lowered  }
0x9b: {  	s22 =	simm.s32 $0x1BFF;
	s21 =	sshll.u32 s6, $0x1;
	s3 =	sadd.s32 s4, s19  }
0x9c: {  	s7 =	simm.s32 $0x0;
	s20 =	sshll.u32 s5, $0x1;
	s5 =	sadd.s32 s21, s3  }
0x9d: {  	[timem:s7], [sflag:s22] =	dma.local [hbm:s5], s20  }
0x9e: {  	_ =	swait.ge [sflag:s22], s20  }
0x9f: {  	s4 =	ssub.s32 $0x0, s20;
	[sflag:s22] =	ssyncset.done $0x0  }
0xa0: {  	[sflag:s22] =	ssyncadd.s32 s4;
	_ =	sdelay $0x1  }
0xa1: {  	s23 =	simm.s32 $0x1B8B  }
0xa2: {  	_ =	swait.ge [sflag:s23], $0x1  }
0xa3: {  	[sflag:s23] =	ssyncset.done $0x0  }
0xa4: {  	s25 =	simm.s32 $0x1B8E;
	s24 =	sld [smem:$0x3FFE];
	[sflag:s23] =	ssyncadd.s32 $0xFFFFFFFF  }
0xa5: {  	s26 =	simm.s32 $execute0_lowered;
	[smem:$0x3FD2] =	sst s25  }
0xa6: {  	s5 =	sshll.u32 s26, $0x1;
	_ =	strace $0x80000046;
	[dreg:$0x1] =	wrdreg $0xFFFFFFFF  }
0xa7: {  	s28 =	simm.s32 $_size_execute0_lowered;
	s3 =	sadd.s32 s3, s5;
	[dreg:$0x0] =	wrdreg $0x0  }
0xa8: {  	s5 =	sshll.u32 s28, $0x1;
	[dreg:$0x2] =	wrdreg s3  }
0xa9: {  	[dreg:$0x3] =	wrdreg s5  }
0xaa: {  	[dreg:$0x4] =	wrdreg $0xC0  }
0xab: {  	_ =	task [dreg:s7], $0x5FFFF  }
0xac: {  	[dreg:$0x1] =	wrdreg $0xFFFFFFFF  }
0xad: {  	[dreg:$0x0] =	wrdreg $0x60  }
0xae: {  	[dreg:$0x2] =	wrdreg s24  }
0xaf: {  	[dreg:$0x3] =	wrdreg s2  }
0xb0: {  	[dreg:$0x4] =	wrdreg $0x40800  }
0xb1: {  	[dreg:$0x5] =	wrdreg $0x9  }
0xb2: {  	_ =	task.clear_ibuf [dreg:s7], $0x6FFFF;
	_ =	strace $0x90000046  }
0xb3: {  	s29 =	simm.s32 $0x9;
	_ =	strace $0x80000048  }
0xb4: {  	_ =	swait.ge [sflag:s29], $0x1  }
0xb5: {  	[sflag:s29] =	ssyncadd.s32 $0xFFFFFFFF  }
0xb6: {  	_ =	strace $0x90000048  }
0xb7: {  	_ =	sfence  }
0xb8: {  	s30 =	sld [smem:$0x0];
	_ =	sdelay $0x2  }
0xb9: {  	s31 =	sshll.u32 s1, $0xD;
	s1 =	sshrl.u32 s1, $0x2  }
0xba: {  	s3 =	sand.u32 $0x4000, s31;
	s1 =	sadd.s32 s1, s30  }
0xbb: {  	s0 =	sor.u32 s3, s0;
	s1 =	sshll.u32 s1, $0x11  }
0xbc: {  	s0 =	sor.u32 s1, s0  }
0xbd: {  	s0 =	sadd.s32 $0x8F2B, s0  }
0xbe: {  	[sflag:s0] =	ssyncadd.remote.s32 $0x1  }
0xbf: {  	_ =	sfence.sel $0xFFFF  }
0xc0: {  	[dreg:$0x0] =	wrdreg $0xFFFFFFFF;
	(pc) =	sbr.abs _section_cstart, $3  }
0xc1: {  	[dreg:$0x1] =	wrdreg $0xFFFFFFFF  }
0xc2: {  	_ =	task.clear_ibuf [dreg:s7], $0x2FFFF;
	_ =	strace $0x9FFFFFFF  }
0xc3: {  	(tm) =	ssettm $0x7FFFFFFF  }
tec
execute0_lowered:
.L_overlay_start_1:
0x0: {  	(tag) =	ssettag $0x1  }
0x1: {  	s6 =	rddreg [dreg:$0x0]  }
0x2: {  	s2 =	rddreg [dreg:$0x1]  }
0x3: {  	s3 =	rddreg [dreg:$0x2]  }
0x4: {  	s0 =	rddreg [dreg:$0x3];
	s1 =	stileid.u32  }
0x5: {  	s4 =	simm.s32 $0x0;
	s5 =	srdreg.scid;
	s7 =	smul.u32 $0x9E0, s1  }
0x6: {  	[smem:$0x7FF] =	sst s4;
	s9 =	smul.u32 $0x50000, s1  }
0x7: {  	s13 =	sand.u32 $0x1, s5;
	s11 =	smul.u32 $0x14000, s1;
	s5 =	sadd.s32 $0xC600, s6  }
0x8: {  	s15 =	sadd.s32 $0xCE00, s6;
	s26 =	sshll.u32 s1, $0x6;
	s20 =	smul.u32 $0x140000, s13  }
0x9: {  	_ =	strace $0x80000047;
	s8 =	ssub.s32 $0x2, s13;
	s28 =	smul.u32 $0x4F0, s13  }
0xa: {  	s16 =	sadd.s32 s7, s6;
	s24 =	sshrl.u32 s8, $0x1;
	s25 =	sshrl.u32 s9, $0x2  }
0xb: {  	s12 =	sadd.s32 $0x4000, s11;
	s6 =	sor.u32 $0x1C01, s26;
	s14 =	sadd.s32 $0x8000, s11  }
0xc: {  	s19 =	sadd.s32 $0xC000, s11;
	s21 =	sadd.s32 $0x10000, s11;
	s17 =	ssub.s32 s8, s24  }
0xd: {  	s18 =	sadd.s32 s25, s3;
	s7 =	sadd.s32 s12, s3;
	s8 =	sadd.s32 s14, s3  }
0xe: {  	s9 =	sadd.s32 s19, s3;
	s10 =	sadd.s32 s21, s3;
	s11 =	sadd.s32 s11, s20  }
0xf: {  	s12 =	sadd.s32 s20, s12;
	s14 =	sadd.s32 s20, s14;
	s19 =	sadd.s32 s20, s19  }
0x10: {  	s20 =	sadd.s32 s20, s21;
	s31 =	sadd.s32 s28, s16;
	s21 =	simm.s32 $0x0  }
0x11: {  	s11 =	sshrl.u32 s11, $0x3;
	s12 =	sshrl.u32 s12, $0x3;
	s14 =	sshrl.u32 s14, $0x3  }
0x12: {  	s29 =	sshrl.u32 s19, $0x3;
	s30 =	sshrl.u32 s20, $0x3;
	s16 =	smax.u32 s17, $0x1  }
0x13: {  	s17 =	sadd.s32 $0x2800, s31;
	s18 =	sshrl.u32 s18, $0x3;
	s19 =	simm.s32 $0x1  }
0x14: {  	s20 =	simm.s32 $0x80;
	s11 =	sadd.s32 s15, s11;
	s12 =	sadd.s32 s15, s12  }
0x15: {  	s13 =	sadd.s32 s15, s14;
	s14 =	sadd.s32 s15, s29;
	s15 =	sadd.s32 s15, s30  }
.LBB2_1:
0x16: {  	[spmem:s18], [sflag:s6] =	dma.local [hbm:s5], $0x800  }
0x17: {  	_ =	swait.ge [sflag:s19], $0x800  }
0x18: {  	[sflag:s19] =	ssyncset.done $0x0  }
0x19: {  	s22 =	sshrl.u32 s7, $0x3;
	[sflag:s19] =	ssyncadd.s32 $0xFFFFF800  }
0x1a: {  	[spmem:s22], [sflag:s6] =	dma.local [hbm:s5], $0x800  }
0x1b: {  	_ =	swait.ge [sflag:s19], $0x800  }
0x1c: {  	[sflag:s19] =	ssyncset.done $0x0  }
0x1d: {  	s23 =	sshrl.u32 s8, $0x3;
	[sflag:s19] =	ssyncadd.s32 $0xFFFFF800  }
0x1e: {  	[spmem:s23], [sflag:s6] =	dma.local [hbm:s5], $0x800  }
0x1f: {  	_ =	swait.ge [sflag:s19], $0x800  }
0x20: {  	[sflag:s19] =	ssyncset.done $0x0  }
0x21: {  	s24 =	sshrl.u32 s9, $0x3;
	[sflag:s19] =	ssyncadd.s32 $0xFFFFF800  }
0x22: {  	[spmem:s24], [sflag:s6] =	dma.local [hbm:s5], $0x800  }
0x23: {  	_ =	swait.ge [sflag:s19], $0x800  }
0x24: {  	[sflag:s19] =	ssyncset.done $0x0  }
0x25: {  	s25 =	sshrl.u32 s10, $0x3;
	[sflag:s19] =	ssyncadd.s32 $0xFFFFF800  }
0x26: {  	[spmem:s25], [sflag:s6] =	dma.local [hbm:s5], $0x800  }
0x27: {  	_ =	swait.ge [sflag:s19], $0x800  }
0x28: {  	[sflag:s19] =	ssyncset.done $0x0  }
0x29: {  	[sflag:s19] =	ssyncadd.s32 $0xFFFFF800  }
0x2a: {  	[tilespmem:s20], [sflag:$0x1] =	stream.linear.gather [hbm4b:s2+s4], $0x4000, $0x38;
	[tilespmem:$0x18080] =	vst v63  }
0x2b: {  	_ =	swait.ge [sflag:s19], $0x4000  }
0x2c: {  	[sflag:s19] =	ssyncset.done $0x0  }
0x2d: {  	[sflag:s19] =	ssyncadd.s32 $0xFFFFC000  }
0x2e: {  	s26 =	sadd.s32 $0x0, s17;
	[bflag:$0x0] =	sbarrier.arrive $0xFFFF  }
0x2f: {  	[tilespmem:s4], [sflag:$0x1] =	stream.linear.gather [hbm4b:s26+s4], $0x80, $0x38;
	[tilespmem:$0x18080] =	vst v63  }
0x30: {  	_ =	swait.ge [sflag:s19], $0x80  }
0x31: {  	[sflag:s19] =	ssyncset.done $0x0  }
0x32: {  	[sflag:s19] =	ssyncadd.s32 $0xFFFFFF80  }
0x33: {  	[spmem:s3] =	stream.indirect.scatter.add.f32 [tilespmem:s20], [sflag:$0x1], $0x80, s4, s20, $0xb8;
	[tilespmem:$0x18080] =	vst v63  }
0x34: {  	_ =	swait.ge [sflag:s19], $0x4000  }
0x35: {  	s28 =	simm.s32 $0x20;
	s26 =	simm.s32 $0x10;
	[sflag:s19] =	ssyncset.done $0x0  }
.LBB2_2:
0x36: {  	s29 =	sadd.s32 s26, s17  }
0x37: {  	[sflag:s19] =	ssyncadd.s32 $0xFFFFC000;
	s26 =	smov.u32 s28;
	s30 =	sadd.s32 $0x10, s28  }
0x38: {  	[tilespmem:s4], [sflag:$0x1] =	stream.linear.gather [hbm4b:s29+s4], $0x80, $0x38;
	[tilespmem:$0x18080] =	vst v63  }
0x39: {  	p0 =	sne.s32 s28, $0x4E0;
	_ =	swait.ge [sflag:s19], $0x80  }
.Ltmp0:
0x3a: {  	[sflag:s19] =	ssyncset.done $0x0;
	(pc) =	sbr.rel @p0 .LBB2_2-.Ltmp0, $4  }
0x3b: {  	[sflag:s19] =	ssyncadd.s32 $0xFFFFFF80  }
0x3c: {  	[spmem:s3] =	stream.indirect.scatter.add.f32 [tilespmem:s20], [sflag:$0x1], $0x80, s4, s20, $0xb8;
	[tilespmem:$0x18080] =	vst v63  }
0x3d: {  	_ =	swait.ge [sflag:s19], $0x4000  }
0x3e: {  	s28 =	smov.u32 s30;
	[sflag:s19] =	ssyncset.done $0x0  }
0x3f: {  	s26 =	sadd.s32 s26, s17;
	[sflag:s19] =	ssyncadd.s32 $0xFFFFC000  }
0x40: {  	[tilespmem:s4], [sflag:$0x1] =	stream.linear.gather [hbm4b:s26+s4], $0x80, $0x38;
	[tilespmem:$0x18080] =	vst v63  }
0x41: {  	_ =	swait.ge [sflag:s19], $0x80  }
0x42: {  	[sflag:s19] =	ssyncset.done $0x0  }
0x43: {  	[sflag:s19] =	ssyncadd.s32 $0xFFFFFF80  }
0x44: {  	[spmem:s3] =	stream.indirect.scatter.add.f32 [tilespmem:s20], [sflag:$0x1], $0x80, s4, s20, $0xb8;
	[tilespmem:$0x18080] =	vst v63  }
0x45: {  	_ =	swait.ge [sflag:s19], $0x4000  }
0x46: {  	[sflag:s19] =	ssyncset.done $0x0  }
0x47: {  	[sflag:s19] =	ssyncadd.s32 $0xFFFFC000  }
0x48: {  	[bflag:$0x0] =	sbarrier.arrive $0xFFFF  }
0x49: {  	[hbm:s11], [sflag:s6] =	dma.local [spmem:s18], $0x800  }
0x4a: {  	_ =	swait.ge [sflag:s19], $0x800  }
0x4b: {  	[sflag:s19] =	ssyncset.done $0x0  }
0x4c: {  	[sflag:s19] =	ssyncadd.s32 $0xFFFFF800  }
0x4d: {  	[hbm:s12], [sflag:s6] =	dma.local [spmem:s22], $0x800  }
0x4e: {  	_ =	swait.ge [sflag:s19], $0x800  }
0x4f: {  	[sflag:s19] =	ssyncset.done $0x0  }
0x50: {  	[sflag:s19] =	ssyncadd.s32 $0xFFFFF800  }
0x51: {  	[hbm:s13], [sflag:s6] =	dma.local [spmem:s23], $0x800  }
0x52: {  	_ =	swait.ge [sflag:s19], $0x800  }
0x53: {  	[sflag:s19] =	ssyncset.done $0x0  }
0x54: {  	[sflag:s19] =	ssyncadd.s32 $0xFFFFF800  }
0x55: {  	[hbm:s14], [sflag:s6] =	dma.local [spmem:s24], $0x800  }
0x56: {  	s21 =	sadd.s32 $0x1, s21;
	_ =	swait.ge [sflag:s19], $0x800  }
0x57: {  	p0 =	sne.s32 s21, s16;
	[sflag:s19] =	ssyncset.done $0x0  }
.Ltmp1:
0x58: {  	[sflag:s19] =	ssyncadd.s32 $0xFFFFF800;
	(pc) =	sbr.rel @p0 .LBB2_1-.Ltmp1, $4  }
0x59: {  	[hbm:s15], [sflag:s6] =	dma.local [spmem:s25], $0x800  }
0x5a: {  	_ =	swait.ge [sflag:s19], $0x800  }
0x5b: {  	[sflag:s19] =	ssyncset.done $0x0  }
0x5c: {  	[sflag:s19] =	ssyncadd.s32 $0xFFFFF800  }
0x5d: {  	_ =	sfence.sel $0x180000  }
0x5e: {  	[bflag:$0x0] =	sbarrier.arrive $0xFFFF  }
0x5f: {  	p0 =	sne.s32 s1, $0x0;
	_ =	strace $0x90000047  }
0x60: {  	s0 =	sadd.s32 @!p0 $0x100000, s0;
	[bflag:$0x2] =	sbarrier.arrive $0xFFFF  }
0x61: {  	[sflag:s0] =	ssyncadd.tile.s32 @!p0 $0x1;
	_ =	shalt  }
.Lfunc_end2:
_tile_overlayer_lowered:
.L_overlay_start_2:
0x62: {  	(tag) =	ssettag $0x2  }
0x63: {  	s0 =	rddreg [dreg:$0x0];
	s2 =	stileid.u32  }
0x64: {  	s1 =	rddreg [dreg:$0x1];
	p0 =	sne.s32 s2, $0x0  }
0x65: {  	s3 =	rddreg [dreg:$0x2];
	[bflag:$0x3] =	sbarrier.arrive $0xFFFF;
	s2 =	simm.s32 @!p0 $0x1C01  }
0x66: {  	[timem:s3], [sflag:s2] =	dma.local @!p0 [hbm:s0], s1  }
0x67: {  	s0 =	simm.s32 @!p0 $0x1  }
0x68: {  	_ =	swait.ge @!p0 [sflag:s0], s1  }
0x69: {  	s1 =	ssub.s32 @!p0 $0x0, s1;
	[sflag:s0] =	ssyncset.done @!p0 $0x0  }
0x6a: {  	[sflag:s0] =	ssyncadd.s32 @!p0 s1  }
0x6b: {  	[bflag:$0x3] =	sbarrier.arrive $0xFFFF  }
0x6c: {  	_ =	shalt  }

</sc_bundles>
